<compile_context>
chip_gen: v7x
topology: tpu7x:2x2x1
jax: 0.10.2.dev20260603
libtpu: 0.0.44.dev20260713+nightly
codegen_flags: <defaults>
</compile_context>

<pallas_src>
import functools

import jax
import jax.numpy as jnp
from jax import lax
from jax.experimental import pallas as pl
from jax.experimental.pallas import tpu as pltpu
from jax.experimental.pallas import tpu_sc as plsc

N = 50000
K = 27
EPS = 1e-5

NW = 32
CH = 384
TOTP = 1437696
NCH = TOTP // (NW * CH)
NP = TOTP // K

R = 400
NT = N // R



TROWS = 50400
TSL = TROWS // 16
NTB = TROWS // R
KBUF = 2


@functools.partial(jax.jit, static_argnames=("cin",))
def _sc_gather(table, idx3, *, cin):
  mesh = plsc.VectorSubcoreMesh(core_axis_name="c", subcore_axis_name="s")

  @functools.partial(
      pl.kernel,
      mesh=mesh,
      out_type=jax.ShapeDtypeStruct((TOTP, cin), table.dtype),
      compiler_params=pltpu.CompilerParams(use_tc_tiling_on_sc=False),
      scratch_types=[
          pltpu.VMEM((2, KBUF, CH), jnp.int32),
          pltpu.VMEM((KBUF, CH, cin), table.dtype),
          pltpu.VMEM_SHARED((TROWS, cin), table.dtype),
          pltpu.SemaphoreType.DMA,
          pltpu.SemaphoreType.DMA,
          pltpu.SemaphoreType.DMA,
      ],
  )
  def gather_kernel(table_hbm, idx_hbm, out_hbm, idx_v, rows_v, shared, sem,
                    isem, wsem):
    sid = lax.axis_index("s")
    wid = lax.axis_index("c") * 16 + sid
    base = wid * NCH * CH
    pltpu.sync_copy(table_hbm.at[pl.ds(sid * TSL, TSL)],
                    shared.at[pl.ds(sid * TSL, TSL)])
    cpi0 = pltpu.async_copy(idx_hbm.at[wid].at[pl.ds(0, KBUF)],
                            idx_v.at[0], isem)
    plsc.subcore_barrier()

    nsteps = NCH // KBUF

    def body(t, carry):
      j0 = t * KBUF
      sl = t % 2
      pltpu.make_async_copy(idx_hbm.at[wid].at[pl.ds(j0, KBUF)],
                            idx_v.at[sl], isem).wait()

      @pl.when(t + 1 < nsteps)
      def _prefetch():
        pltpu.async_copy(idx_hbm.at[wid].at[pl.ds(j0 + KBUF, KBUF)],
                         idx_v.at[1 - sl], isem)

      @pl.when(t > 0)
      def _drain():
        for b in range(KBUF):
          pltpu.make_async_copy(
              rows_v.at[b], out_hbm.at[pl.ds(base, CH)], wsem).wait()

      cps = [
          pltpu.async_copy(shared.at[idx_v.at[sl, b]], rows_v.at[b], sem)
          for b in range(KBUF)
      ]
      for b in range(KBUF):
        cps[b].wait()
        pltpu.async_copy(rows_v.at[b],
                         out_hbm.at[pl.ds(base + (j0 + b) * CH, CH)], wsem)
      return carry

    del cpi0
    lax.fori_loop(0, nsteps, body, 0)

    for b in range(KBUF):
      pltpu.make_async_copy(rows_v.at[b], out_hbm.at[pl.ds(base, CH)],
                            wsem).wait()
    j = NCH - 1
    pltpu.sync_copy(idx_hbm.at[wid].at[pl.ds(j, 1)], idx_v.at[0, 0:1])
    pltpu.async_copy(shared.at[idx_v.at[0, 0]], rows_v.at[0], sem).wait()
    pltpu.sync_copy(rows_v.at[0], out_hbm.at[pl.ds(base + j * CH, CH)])

  return gather_kernel(table, idx3)



def _conv(gs, ws, res=None, want_stats=False):
  ng = len(gs)
  cout = ws[0].shape[1]

  def body(*refs):
    nin = 2 * ng + (0 if res is None else 1)
    orefs = refs[nin:]
    x = jnp.dot(refs[0][...], refs[ng][...],
                preferred_element_type=jnp.float32)
    for a in range(1, ng):
      x = x + jnp.dot(refs[a][...], refs[ng + a][...],
                      preferred_element_type=jnp.float32)
    if res is not None:
      x = x + refs[2 * ng][...]
    orefs[0][...] = x
    if want_stats:
      s = jnp.stack([jnp.sum(x, axis=0), jnp.sum(x * x, axis=0)])
      i = pl.program_id(0)

      @pl.when(i == 0)
      def _init():
        orefs[1][...] = s

      @pl.when(i > 0)
      def _acc():
        orefs[1][...] = orefs[1][...] + s

  in_specs = [pl.BlockSpec((g.shape[1], cout) if j else (R, g.shape[1]),
                           (lambda i: (0, 0)) if j else (lambda i: (i, 0)))
              for j in (0, 1) for g in gs]
  operands = list(gs) + list(ws)
  if res is not None:
    in_specs.append(pl.BlockSpec((R, cout), lambda i: (i, 0)))
    operands.append(res)
  out_shape = [jax.ShapeDtypeStruct((N, cout), jnp.float32)]
  out_specs = [pl.BlockSpec((R, cout), lambda i: (i, 0))]
  if want_stats:
    out_shape.append(jax.ShapeDtypeStruct((2, cout), jnp.float32))
    out_specs.append(pl.BlockSpec((2, cout), lambda i: (0, 0)))
  out = pl.pallas_call(
      body,
      grid=(NT,),
      in_specs=in_specs,
      out_specs=out_specs,
      out_shape=out_shape,
  )(*operands)
  return out if want_stats else out[0]



def _bnrelu(x, stats, g, b, ws=None):
  c = x.shape[1]
  g2 = g.reshape(1, c)
  b2 = b.reshape(1, c)

  def body(x_ref, s_ref, g_ref, b_ref, *rest):
    mu = s_ref[0:1, :] * (1.0 / N)
    var = s_ref[1:2, :] * (1.0 / N) - mu * mu
    scale = g_ref[...] * lax.rsqrt(var + EPS)
    h = jnp.maximum((x_ref[...] - mu) * scale + b_ref[...], 0.0)
    i = pl.program_id(0)
    row = i * R + lax.broadcasted_iota(jnp.int32, (R, 1), 0)
    h = jnp.where(row < N, h, 0.0)
    if ws is None:
      rest[0][...] = h.astype(jnp.bfloat16)
    else:
      rest[1][...] = h.astype(jnp.bfloat16)
      rest[2][...] = jnp.dot(h, rest[0][...],
                             preferred_element_type=jnp.float32)

  clamp = lambda i: (jnp.minimum(i, NT - 1), 0)
  in_specs = [
      pl.BlockSpec((R, c), clamp),
      pl.BlockSpec((2, c), lambda i: (0, 0)),
      pl.BlockSpec((1, c), lambda i: (0, 0)),
      pl.BlockSpec((1, c), lambda i: (0, 0)),
  ]
  operands = [x, stats, g2, b2]
  out_shape = [jax.ShapeDtypeStruct((TROWS, c), jnp.bfloat16)]
  out_specs = [pl.BlockSpec((R, c), lambda i: (i, 0))]
  if ws is not None:
    cs = ws.shape[1]
    in_specs.append(pl.BlockSpec((c, cs), lambda i: (0, 0)))
    operands.append(ws)
    out_shape.append(jax.ShapeDtypeStruct((TROWS, cs), jnp.float32))
    out_specs.append(pl.BlockSpec((R, cs), lambda i: (i, 0)))
  out = pl.pallas_call(
      body,
      grid=(NTB,),
      in_specs=in_specs,
      out_specs=out_specs,
      out_shape=out_shape,
  )(*operands)
  return out[0] if ws is None else out



CHE = 1664
TSEG = TOTP // 16


def _build_src_idx(pin, pout, st):
  e = jnp.arange(pin.shape[0], dtype=jnp.int32)
  st32 = st.astype(jnp.int32)
  seg = jnp.sum(e[:, None] >= st32[None, :], axis=1).astype(jnp.int32) - 1
  dest = pout.astype(jnp.int32) * K + seg
  ep = -(-pin.shape[0] // (16 * CHE)) * (16 * CHE)
  pad = ep - pin.shape[0]
  dest3 = jnp.concatenate(
      [dest, jnp.full((pad,), TOTP, jnp.int32)]).reshape(16, -1, CHE)
  pin3 = jnp.concatenate(
      [pin.astype(jnp.int32), jnp.full((pad,), N, jnp.int32)]
  ).reshape(16, -1, CHE)
  fill = jnp.full((CHE,), N, jnp.int32)
  nech = ep // (16 * CHE)

  mesh = plsc.VectorSubcoreMesh(core_axis_name="c", subcore_axis_name="s",
                                num_cores=1)

  @functools.partial(
      pl.kernel,
      mesh=mesh,
      out_type=jax.ShapeDtypeStruct((TOTP,), jnp.int32),
      compiler_params=pltpu.CompilerParams(use_tc_tiling_on_sc=False),
      scratch_types=[
          pltpu.VMEM((2, CHE), jnp.int32),
          pltpu.VMEM((2, CHE), jnp.int32),
          pltpu.VMEM((CHE,), jnp.int32),
          pltpu.VMEM_SHARED((TOTP + 8,), jnp.int32),
          pltpu.SemaphoreType.DMA,
          pltpu.SemaphoreType.DMA,
      ],
  )
  def build_kernel(pin_hbm, dest_hbm, fill_hbm, out_hbm, pv, dv, fv,
                   table_sp, sem, wsem):
    sid = lax.axis_index("s")
    pltpu.sync_copy(fill_hbm, fv)

    def mset(m, carry):
      pltpu.async_copy(
          fv, table_sp.at[pl.ds(sid * TSEG + m * CHE, CHE)], wsem)
      return carry

    lax.fori_loop(0, TSEG // CHE, mset, 0)

    def mdrain(m, carry):
      pltpu.make_async_copy(
          fv, table_sp.at[pl.ds(sid * TSEG, CHE)], wsem).wait()
      return carry

    lax.fori_loop(0, TSEG // CHE, mdrain, 0)
    plsc.subcore_barrier()

    def ebody(j, carry):
      cpp = pltpu.async_copy(pin_hbm.at[sid].at[j], pv.at[0], sem)
      cpd = pltpu.async_copy(dest_hbm.at[sid].at[j], dv.at[0], sem)
      cpp.wait()
      cpd.wait()
      pltpu.sync_copy(pv.at[0], table_sp.at[dv.at[0]])
      return carry

    lax.fori_loop(0, nech, ebody, 0)
    plsc.subcore_barrier()
    pltpu.sync_copy(table_sp.at[pl.ds(sid * TSEG, TSEG)],
                    out_hbm.at[pl.ds(sid * TSEG, TSEG)])

  return build_kernel(pin3, dest3, fill).reshape(NW, NCH, CH)


def kernel(coords, feats, pin1, pout1, st1, ct1, pin2, pout2, st2, ct2,
           pin4, pout4, st4, ct4, stem_W, s0_g1, s0_b1, s0_W1, s0_g2, s0_b2,
           s0_W2, s1_g1, s1_b1, s1_W1, s1_g2, s1_b2, s1_W2, s1_Ws):
  idx1 = _build_src_idx(pin1, pout1, st1)
  idx2 = _build_src_idx(pin2, pout2, st2)
  idx4 = _build_src_idx(pin4, pout4, st4)

  h_tab = jnp.zeros((TROWS, 16), jnp.float32).at[:N, :4].set(feats)
  w0 = jnp.zeros((K, 16, 32), jnp.float32).at[:, :4, :].set(stem_W)
  g1 = _sc_gather(h_tab, idx1, cin=16).reshape(NP, K * 16)
  x0, st_x0 = _conv([g1], [w0.reshape(K * 16, 32)], want_stats=True)

  h0 = _bnrelu(x0, st_x0, s0_g1, s0_b1)
  g2 = _sc_gather(h0, idx2, cin=32).reshape(NP, K * 32)
  t0, st_t0 = _conv([g2], [s0_W1.astype(jnp.bfloat16).reshape(K * 32, 32)],
                    want_stats=True)
  h1 = _bnrelu(t0, st_t0, s0_g2, s0_b2)
  g3 = _sc_gather(h1, idx2, cin=32).reshape(NP, K * 32)
  x1, st_x1 = _conv([g3], [s0_W2.astype(jnp.bfloat16).reshape(K * 32, 32)],
                    res=x0, want_stats=True)

  pre, sc = _bnrelu(x1, st_x1, s1_g1, s1_b1, ws=s1_Ws)
  g4 = _sc_gather(pre, idx4, cin=32).reshape(NP, K * 32)
  t1, st_t1 = _conv([g4], [s1_W1.astype(jnp.bfloat16).reshape(K * 32, 64)],
                    want_stats=True)
  h2 = _bnrelu(t1, st_t1, s1_g2, s1_b2)
  g5 = _sc_gather(h2, idx4, cin=64).reshape(NP, K * 64)
  x2 = _conv([g5], [s1_W2.astype(jnp.bfloat16).reshape(K * 64, 64)], res=sc)

  return (x0, x1, x2)

# --- scband reference (transcript-rebuilt; emitter-appended) ---
"""Pipeline reference for scband-minkowski-sparse-resnet-v2-70282844832296 (READ-ONLY COPY).

The authoritative reference and input builder live on the scoring server;
editing this copy changes nothing except your own understanding.
"""

import jax, jax.numpy as jnp
import numpy as np

GRID = 64
N = 50000
EPS = 1e-5

def _build_kmap(coords, dil, grid):
    lookup = np.full(grid ** 3, -1, dtype=np.int64)
    lin = (coords[:, 0] * grid + coords[:, 1]) * grid + coords[:, 2]
    lookup[lin] = np.arange(coords.shape[0])
    pins, pouts, counts = [], [], []
    for dx in (-dil, 0, dil):
        for dy in (-dil, 0, dil):
            for dz in (-dil, 0, dil):
                nc = coords + np.array([dx, dy, dz])
                valid = np.all((nc >= 0) & (nc < grid), axis=1)
                i_out = np.nonzero(valid)[0]
                nl = (nc[valid, 0] * grid + nc[valid, 1]) * grid + nc[valid, 2]
                j_in = lookup[nl]
                ok = j_in >= 0
                pins.append(j_in[ok])
                pouts.append(i_out[ok])
                counts.append(int(ok.sum()))
    pin = jnp.asarray(np.concatenate(pins).astype(np.int32))
    pout = jnp.asarray(np.concatenate(pouts).astype(np.int32))
    counts = np.array(counts, dtype=np.int64)
    starts = np.concatenate([np.zeros(1, dtype=np.int64), np.cumsum(counts)[:-1]])
    return pin, pout, starts, counts

def setup_inputs(seed: int = 0):
    rng = np.random.RandomState(0)
    lin = rng.choice(GRID ** 3, N, replace=False)
    coords = np.stack([lin // (GRID * GRID), (lin // GRID) % GRID, lin % GRID], axis=1).astype(np.int64)
    key = jax.random.key(seed)
    ks = jax.random.split(key, 8)
    inp = {'coords': jnp.asarray(coords), 'feats': jax.random.normal(ks[0], (N, 4), dtype=jnp.float32)}
    for d in (1, 2, 4):
        pin, pout, st, ct = _build_kmap(coords, d, GRID)
        inp['pin%d' % d] = pin
        inp['pout%d' % d] = pout
        inp['st%d' % d] = st
        inp['ct%d' % d] = ct
    def w(k, shape, fan):
        return jax.random.normal(k, shape, dtype=jnp.float32) / np.sqrt(fan)
    inp['stem_W'] = w(ks[1], (27, 4, 32), 27 * 4)
    inp['s0_g1'] = jnp.ones(32, jnp.float32); inp['s0_b1'] = jnp.zeros(32, jnp.float32)
    inp['s0_W1'] = w(ks[2], (27, 32, 32), 27 * 32)
    inp['s0_g2'] = jnp.ones(32, jnp.float32); inp['s0_b2'] = jnp.zeros(32, jnp.float32)
    inp['s0_W2'] = w(ks[3], (27, 32, 32), 27 * 32)
    inp['s1_g1'] = jnp.ones(32, jnp.float32); inp['s1_b1'] = jnp.zeros(32, jnp.float32)
    inp['s1_W1'] = w(ks[4], (27, 32, 64), 27 * 32)
    inp['s1_g2'] = jnp.ones(64, jnp.float32); inp['s1_b2'] = jnp.zeros(64, jnp.float32)
    inp['s1_W2'] = w(ks[5], (27, 64, 64), 27 * 64)
    inp['s1_Ws'] = w(ks[6], (32, 64), 32)
    return inp

def _conv(feats, W, pin, pout, starts, counts, n):
    out = jnp.zeros((n, W.shape[2]), dtype=feats.dtype)
    idx = jnp.arange(pin.shape[0])
    fp = jnp.take(feats, pin, axis=0)
    for k in range(W.shape[0]):
        s = starts[k]; c = counts[k]
        mask = (idx >= s) & (idx < s + c)
        msg = jnp.where(mask[:, None], fp @ W[k], jnp.zeros((), dtype=feats.dtype))
        out = out.at[pout].add(msg)
    return out

def _bn(x, g, b):
    mu = jnp.mean(x, axis=0)
    var = jnp.var(x, axis=0)
    return (x - mu) / jnp.sqrt(var + EPS) * g + b

def reference(coords, feats, pin1, pout1, st1, ct1, pin2, pout2, st2, ct2, pin4, pout4, st4, ct4, stem_W, s0_g1, s0_b1, s0_W1, s0_g2, s0_b2, s0_W2, s1_g1, s1_b1, s1_W1, s1_g2, s1_b2, s1_W2, s1_Ws):
    n = feats.shape[0]
    x = _conv(feats, stem_W, pin1, pout1, st1, ct1, n)
    out0 = x
    h = jax.nn.relu(_bn(x, s0_g1, s0_b1))
    h = _conv(h, s0_W1, pin2, pout2, st2, ct2, n)
    h = jax.nn.relu(_bn(h, s0_g2, s0_b2))
    h = _conv(h, s0_W2, pin2, pout2, st2, ct2, n)
    x = x + h
    out1 = x
    pre = jax.nn.relu(_bn(x, s1_g1, s1_b1))
    sc = pre @ s1_Ws
    h = _conv(pre, s1_W1, pin4, pout4, st4, ct4, n)
    h = jax.nn.relu(_bn(h, s1_g2, s1_b2))
    h = _conv(h, s1_W2, pin4, pout4, st4, ct4, n)
    x2 = sc + h
    return (out0, out1, x2)

if __name__ == "__main__":
    import jax
    _d = setup_inputs()
    print(jax.jit(kernel)(*tuple(_d.values())))

</pallas_src>

<mosaic_0001>
#map = affine_map<(d0, d1) -> (0, 0)>
#map1 = affine_map<(d0, d1) -> (0, 0, 0)>
module attributes {stable_mosaic.version = 14 : i64} {
  func.func @gather_kernel(%arg0: i32, %arg1: i32, %arg2: memref<50400x16xf32, #tpu.memory_space<hbm>>, %arg3: memref<32x117x384xi32, #tpu.memory_space<hbm>>, %arg4: memref<1437696x16xf32, #tpu.memory_space<hbm>>, %arg5: memref<2x2x384xi32, #tpu.memory_space<vmem>>, %arg6: memref<2x384x16xf32, #tpu.memory_space<vmem>>, %arg7: memref<50400x16xf32, #tpu.memory_space<vmem_shared>>, %arg8: memref<!tpu.dma_semaphore, #tpu.memory_space<semaphore_mem>>, %arg9: memref<!tpu.dma_semaphore, #tpu.memory_space<semaphore_mem>>, %arg10: memref<!tpu.dma_semaphore, #tpu.memory_space<semaphore_mem>>) attributes {dimension_semantics = [#tpu.dimension_semantics<core_parallel>, #tpu.dimension_semantics<subcore_parallel>], iteration_bounds = array<i64: 2, 16>, scalar_prefetch = 0 : i64, scratch_operands = 6 : i64, tpu.core_type = #tpu.core_type<sc_vector_subcore>, window_params = [{transform_indices = #map}, {transform_indices = #map1}, {transform_indices = #map}]} {
    %mul3A = arith.constant 16 : i32
    %mul3A_0 = arith.muli %arg0, %mul3A : i32
    %add3A = arith.addi %mul3A_0, %arg1 : i32
    %mul3A_1 = arith.constant 117 : i32
    %mul3A_2 = arith.muli %add3A, %mul3A_1 : i32
    %mul3A_3 = arith.constant 384 : i32
    %mul3A_4 = arith.muli %mul3A_2, %mul3A_3 : i32
    %mul3A_5 = arith.constant 3150 : i32
    %mul3A_6 = arith.muli %arg1, %mul3A_5 : i32
    %mul3A_7 = arith.constant 3150 : i32
    %mul3A_8 = arith.muli %arg1, %mul3A_7 : i32
    "tpu.region"() ({
      %run_scoped3A_90 = tpu.sem_alloc : memref<!tpu.dma_semaphore, #tpu.memory_space<semaphore_mem>>
      %dma_start3A_91 = arith.constant 0 : i32
      %dma_start3A_92 = tpu.memref_slice %arg7[%mul3A_8, %dma_start3A_91] : memref<50400x16xf32, #tpu.memory_space<vmem_shared>> -> memref<3150x16xf32, #tpu.memory_space<vmem_shared>>
      %dma_start3A_93 = arith.constant 0 : i32
      %dma_start3A_94 = tpu.memref_slice %arg2[%mul3A_6, %dma_start3A_93] : memref<50400x16xf32, #tpu.memory_space<hbm>> -> memref<3150x16xf32, #tpu.memory_space<hbm>>
      tpu.enqueue_dma source(%dma_start3A_94 : memref<3150x16xf32, #tpu.memory_space<hbm>>) target(%dma_start3A_92 : memref<3150x16xf32, #tpu.memory_space<vmem_shared>>) target_semaphore(%run_scoped3A_90 : memref<!tpu.dma_semaphore, #tpu.memory_space<semaphore_mem>>)
      %dma_wait3A_95 = arith.constant 0 : i32
      %dma_wait3A_96 = tpu.memref_slice %arg7[%mul3A_8, %dma_wait3A_95] : memref<50400x16xf32, #tpu.memory_space<vmem_shared>> -> memref<3150x16xf32, #tpu.memory_space<vmem_shared>>
      %dma_wait3A_97 = arith.constant 0 : i32
      %dma_wait3A_98 = tpu.memref_slice %arg2[%mul3A_6, %dma_wait3A_97] : memref<50400x16xf32, #tpu.memory_space<hbm>> -> memref<3150x16xf32, #tpu.memory_space<hbm>>
      tpu.wait_dma2 semaphore(%run_scoped3A_90 : memref<!tpu.dma_semaphore, #tpu.memory_space<semaphore_mem>>) src(%dma_wait3A_98 : memref<3150x16xf32, #tpu.memory_space<hbm>>) dst(%dma_wait3A_96 : memref<3150x16xf32, #tpu.memory_space<vmem_shared>>)
      tpu.yield
    }) : () -> ()
    %dma_start3A = arith.constant 0 : i32
    %dma_start3A_9 = arith.constant 0 : i32
    %dma_start3A_10 = arith.constant 0 : i32
    %dma_start3A_11 = tpu.memref_slice %arg5[%dma_start3A, %dma_start3A_9, %dma_start3A_10] : memref<2x2x384xi32, #tpu.memory_space<vmem>> -> memref<1x2x384xi32, #tpu.memory_space<vmem>>
    %dma_start3A_12 = tpu.memref_squeeze %dma_start3A_11 : memref<1x2x384xi32, #tpu.memory_space<vmem>> -> memref<2x384xi32, #tpu.memory_space<vmem>>
    %dma_start3A_13 = arith.constant 0 : i32
    %dma_start3A_14 = arith.constant 0 : i32
    %dma_start3A_15 = tpu.memref_slice %arg3[%add3A, %dma_start3A_13, %dma_start3A_14] : memref<32x117x384xi32, #tpu.memory_space<hbm>> -> memref<1x117x384xi32, #tpu.memory_space<hbm>>
    %dma_start3A_16 = tpu.memref_squeeze %dma_start3A_15 : memref<1x117x384xi32, #tpu.memory_space<hbm>> -> memref<117x384xi32, #tpu.memory_space<hbm>>
    %dma_start3A_17 = arith.constant 0 : i32
    %dma_start3A_18 = arith.constant 0 : i32
    %dma_start3A_19 = tpu.memref_slice %dma_start3A_16[%dma_start3A_17, %dma_start3A_18] : memref<117x384xi32, #tpu.memory_space<hbm>> -> memref<2x384xi32, #tpu.memory_space<hbm>>
    %dma_start3A_20 = arith.constant 0 : i32
    %dma_start3A_21 = arith.constant 0 : i32
    %dma_start3A_22 = tpu.memref_slice %arg5[%dma_start3A, %dma_start3A_20, %dma_start3A_21] : memref<2x2x384xi32, #tpu.memory_space<vmem>> -> memref<1x2x384xi32, #tpu.memory_space<vmem>>
    %dma_start3A_23 = tpu.memref_squeeze %dma_start3A_22 : memref<1x2x384xi32, #tpu.memory_space<vmem>> -> memref<2x384xi32, #tpu.memory_space<vmem>>
    %dma_start3A_24 = arith.constant 0 : i32
    %dma_start3A_25 = arith.constant 0 : i32
    %dma_start3A_26 = tpu.memref_slice %arg3[%add3A, %dma_start3A_24, %dma_start3A_25] : memref<32x117x384xi32, #tpu.memory_space<hbm>> -> memref<1x117x384xi32, #tpu.memory_space<hbm>>
    %dma_start3A_27 = tpu.memref_squeeze %dma_start3A_26 : memref<1x117x384xi32, #tpu.memory_space<hbm>> -> memref<117x384xi32, #tpu.memory_space<hbm>>
    %dma_start3A_28 = arith.constant 0 : i32
    %dma_start3A_29 = arith.constant 0 : i32
    %dma_start3A_30 = tpu.memref_slice %dma_start3A_27[%dma_start3A_28, %dma_start3A_29] : memref<117x384xi32, #tpu.memory_space<hbm>> -> memref<2x384xi32, #tpu.memory_space<hbm>>
    tpu.enqueue_dma source(%dma_start3A_30 : memref<2x384xi32, #tpu.memory_space<hbm>>) target(%dma_start3A_23 : memref<2x384xi32, #tpu.memory_space<vmem>>) target_semaphore(%arg9 : memref<!tpu.dma_semaphore, #tpu.memory_space<semaphore_mem>>)
    %barrier3A = arith.constant 0 : index
    tpu.barrier barrier_id(%barrier3A)
    %scan3A = arith.constant 0 : i32
    %scan3A_31 = arith.constant 0 : i32
    %scan3A_32 = arith.constant 58 : i32
    %scan3A_33 = arith.addi %scan3A_31, %scan3A_32 : i32
    %scan3A_34 = arith.constant 1 : i32
    scf.for %scan3A_90 = %scan3A_31 to %scan3A_33 step %scan3A_34  : i32 {
      %mul3A_91 = arith.constant 2 : i32
      %mul3A_92 = arith.muli %scan3A_90, %mul3A_91 : i32
      %jit3A = arith.constant 2 : i32
      %eq3A = arith.constant 0 : i32
      %eq3A_93 = arith.cmpi eq, %jit3A, %eq3A : i32
      %jit3A_94 = arith.constant 1 : i32
      %select_n3A = arith.select %eq3A_93, %jit3A_94, %jit3A : i32
      %rem3A = arith.remsi %scan3A_90, %select_n3A : i32
      %ne3A = arith.constant 0 : i32
      %ne3A_95 = arith.cmpi ne, %rem3A, %ne3A : i32
      %lt3A = arith.constant 0 : i32
      %lt3A_96 = arith.cmpi slt, %rem3A, %lt3A : i32
      %lt3A_97 = arith.constant 0 : i32
      %lt3A_98 = arith.cmpi slt, %select_n3A, %lt3A_97 : i32
      %ne3A_99 = arith.xori %lt3A_96, %lt3A_98 : i1
      %and3A = arith.andi %ne3A_99, %ne3A_95 : i1
      %add3A_100 = arith.addi %rem3A, %select_n3A : i32
      %select_n3A_101 = arith.select %and3A, %add3A_100, %rem3A : i32
      %dma_wait3A_102 = arith.constant 0 : i32
      %dma_wait3A_103 = arith.constant 0 : i32
      %dma_wait3A_104 = tpu.memref_slice %arg5[%select_n3A_101, %dma_wait3A_102, %dma_wait3A_103] : memref<2x2x384xi32, #tpu.memory_space<vmem>> -> memref<1x2x384xi32, #tpu.memory_space<vmem>>
      %dma_wait3A_105 = tpu.memref_squeeze %dma_wait3A_104 : memref<1x2x384xi32, #tpu.memory_space<vmem>> -> memref<2x384xi32, #tpu.memory_space<vmem>>
      %dma_wait3A_106 = arith.constant 0 : i32
      %dma_wait3A_107 = arith.constant 0 : i32
      %dma_wait3A_108 = tpu.memref_slice %arg3[%add3A, %dma_wait3A_106, %dma_wait3A_107] : memref<32x117x384xi32, #tpu.memory_space<hbm>> -> memref<1x117x384xi32, #tpu.memory_space<hbm>>
      %dma_wait3A_109 = tpu.memref_squeeze %dma_wait3A_108 : memref<1x117x384xi32, #tpu.memory_space<hbm>> -> memref<117x384xi32, #tpu.memory_space<hbm>>
      %dma_wait3A_110 = arith.constant 0 : i32
      %dma_wait3A_111 = tpu.memref_slice %dma_wait3A_109[%mul3A_92, %dma_wait3A_110] : memref<117x384xi32, #tpu.memory_space<hbm>> -> memref<2x384xi32, #tpu.memory_space<hbm>>
      %dma_wait3A_112 = arith.constant 0 : i32
      %dma_wait3A_113 = arith.constant 0 : i32
      %dma_wait3A_114 = tpu.memref_slice %arg5[%select_n3A_101, %dma_wait3A_112, %dma_wait3A_113] : memref<2x2x384xi32, #tpu.memory_space<vmem>> -> memref<1x2x384xi32, #tpu.memory_space<vmem>>
      %dma_wait3A_115 = tpu.memref_squeeze %dma_wait3A_114 : memref<1x2x384xi32, #tpu.memory_space<vmem>> -> memref<2x384xi32, #tpu.memory_space<vmem>>
      %dma_wait3A_116 = arith.constant 0 : i32
      %dma_wait3A_117 = arith.constant 0 : i32
      %dma_wait3A_118 = tpu.memref_slice %arg3[%add3A, %dma_wait3A_116, %dma_wait3A_117] : memref<32x117x384xi32, #tpu.memory_space<hbm>> -> memref<1x117x384xi32, #tpu.memory_space<hbm>>
      %dma_wait3A_119 = tpu.memref_squeeze %dma_wait3A_118 : memref<1x117x384xi32, #tpu.memory_space<hbm>> -> memref<117x384xi32, #tpu.memory_space<hbm>>
      %dma_wait3A_120 = arith.constant 0 : i32
      %dma_wait3A_121 = tpu.memref_slice %dma_wait3A_119[%mul3A_92, %dma_wait3A_120] : memref<117x384xi32, #tpu.memory_space<hbm>> -> memref<2x384xi32, #tpu.memory_space<hbm>>
      tpu.wait_dma2 semaphore(%arg9 : memref<!tpu.dma_semaphore, #tpu.memory_space<semaphore_mem>>) src(%dma_wait3A_121 : memref<2x384xi32, #tpu.memory_space<hbm>>) dst(%dma_wait3A_115 : memref<2x384xi32, #tpu.memory_space<vmem>>)
      %add3A_122 = arith.constant 1 : i32
      %add3A_123 = arith.addi %scan3A_90, %add3A_122 : i32
      %lt3A_124 = arith.constant 58 : i32
      %lt3A_125 = arith.cmpi slt, %add3A_123, %lt3A_124 : i32
      %convert_element_type3A = arith.extui %lt3A_125 : i1 to i32
      %cond3A = arith.constant 0 : i32
      %cond3A_126 = arith.cmpi ne, %convert_element_type3A, %cond3A : i32
      scf.if %cond3A_126 {
        %add3A_215 = arith.constant 2 : i32
        %add3A_216 = arith.addi %mul3A_92, %add3A_215 : i32
        %sub3A = arith.constant 1 : i32
        %sub3A_217 = arith.subi %sub3A, %select_n3A_101 : i32
        %dma_start3A_218 = arith.constant 0 : i32
        %dma_start3A_219 = arith.constant 0 : i32
        %dma_start3A_220 = tpu.memref_slice %arg5[%sub3A_217, %dma_start3A_218, %dma_start3A_219] : memref<2x2x384xi32, #tpu.memory_space<vmem>> -> memref<1x2x384xi32, #tpu.memory_space<vmem>>
        %dma_start3A_221 = tpu.memref_squeeze %dma_start3A_220 : memref<1x2x384xi32, #tpu.memory_space<vmem>> -> memref<2x384xi32, #tpu.memory_space<vmem>>
        %dma_start3A_222 = arith.constant 0 : i32
        %dma_start3A_223 = arith.constant 0 : i32
        %dma_start3A_224 = tpu.memref_slice %arg3[%add3A, %dma_start3A_222, %dma_start3A_223] : memref<32x117x384xi32, #tpu.memory_space<hbm>> -> memref<1x117x384xi32, #tpu.memory_space<hbm>>
        %dma_start3A_225 = tpu.memref_squeeze %dma_start3A_224 : memref<1x117x384xi32, #tpu.memory_space<hbm>> -> memref<117x384xi32, #tpu.memory_space<hbm>>
        %dma_start3A_226 = arith.constant 0 : i32
        %dma_start3A_227 = tpu.memref_slice %dma_start3A_225[%add3A_216, %dma_start3A_226] : memref<117x384xi32, #tpu.memory_space<hbm>> -> memref<2x384xi32, #tpu.memory_space<hbm>>
        %dma_start3A_228 = arith.constant 0 : i32
        %dma_start3A_229 = arith.constant 0 : i32
        %dma_start3A_230 = tpu.memref_slice %arg5[%sub3A_217, %dma_start3A_228, %dma_start3A_229] : memref<2x2x384xi32, #tpu.memory_space<vmem>> -> memref<1x2x384xi32, #tpu.memory_space<vmem>>
        %dma_start3A_231 = tpu.memref_squeeze %dma_start3A_230 : memref<1x2x384xi32, #tpu.memory_space<vmem>> -> memref<2x384xi32, #tpu.memory_space<vmem>>
        %dma_start3A_232 = arith.constant 0 : i32
        %dma_start3A_233 = arith.constant 0 : i32
        %dma_start3A_234 = tpu.memref_slice %arg3[%add3A, %dma_start3A_232, %dma_start3A_233] : memref<32x117x384xi32, #tpu.memory_space<hbm>> -> memref<1x117x384xi32, #tpu.memory_space<hbm>>
        %dma_start3A_235 = tpu.memref_squeeze %dma_start3A_234 : memref<1x117x384xi32, #tpu.memory_space<hbm>> -> memref<117x384xi32, #tpu.memory_space<hbm>>
        %dma_start3A_236 = arith.constant 0 : i32
        %dma_start3A_237 = tpu.memref_slice %dma_start3A_235[%add3A_216, %dma_start3A_236] : memref<117x384xi32, #tpu.memory_space<hbm>> -> memref<2x384xi32, #tpu.memory_space<hbm>>
        tpu.enqueue_dma source(%dma_start3A_237 : memref<2x384xi32, #tpu.memory_space<hbm>>) target(%dma_start3A_231 : memref<2x384xi32, #tpu.memory_space<vmem>>) target_semaphore(%arg9 : memref<!tpu.dma_semaphore, #tpu.memory_space<semaphore_mem>>)
      } else {
      }
      %gt3A = arith.constant 0 : i32
      %gt3A_127 = arith.cmpi sgt, %scan3A_90, %gt3A : i32
      %convert_element_type3A_128 = arith.extui %gt3A_127 : i1 to i32
      %cond3A_129 = arith.constant 0 : i32
      %cond3A_130 = arith.cmpi ne, %convert_element_type3A_128, %cond3A_129 : i32
      scf.if %cond3A_130 {
        %dma_wait3A_215 = arith.constant 0 : i32
        %dma_wait3A_216 = arith.constant 0 : i32
        %dma_wait3A_217 = arith.constant 0 : i32
        %dma_wait3A_218 = tpu.memref_slice %arg6[%dma_wait3A_215, %dma_wait3A_216, %dma_wait3A_217] : memref<2x384x16xf32, #tpu.memory_space<vmem>> -> memref<1x384x16xf32, #tpu.memory_space<vmem>>
        %dma_wait3A_219 = tpu.memref_squeeze %dma_wait3A_218 : memref<1x384x16xf32, #tpu.memory_space<vmem>> -> memref<384x16xf32, #tpu.memory_space<vmem>>
        %dma_wait3A_220 = arith.constant 0 : i32
        %dma_wait3A_221 = tpu.memref_slice %arg4[%mul3A_4, %dma_wait3A_220] : memref<1437696x16xf32, #tpu.memory_space<hbm>> -> memref<384x16xf32, #tpu.memory_space<hbm>>
        %dma_wait3A_222 = arith.constant 0 : i32
        %dma_wait3A_223 = tpu.memref_slice %arg4[%mul3A_4, %dma_wait3A_222] : memref<1437696x16xf32, #tpu.memory_space<hbm>> -> memref<384x16xf32, #tpu.memory_space<hbm>>
        %dma_wait3A_224 = arith.constant 0 : i32
        %dma_wait3A_225 = arith.constant 0 : i32
        %dma_wait3A_226 = tpu.memref_slice %arg6[%dma_wait3A_215, %dma_wait3A_224, %dma_wait3A_225] : memref<2x384x16xf32, #tpu.memory_space<vmem>> -> memref<1x384x16xf32, #tpu.memory_space<vmem>>
        %dma_wait3A_227 = tpu.memref_squeeze %dma_wait3A_226 : memref<1x384x16xf32, #tpu.memory_space<vmem>> -> memref<384x16xf32, #tpu.memory_space<vmem>>
        tpu.wait_dma2 semaphore(%arg10 : memref<!tpu.dma_semaphore, #tpu.memory_space<semaphore_mem>>) src(%dma_wait3A_227 : memref<384x16xf32, #tpu.memory_space<vmem>>) dst(%dma_wait3A_223 : memref<384x16xf32, #tpu.memory_space<hbm>>)
        %dma_wait3A_228 = arith.constant 1 : i32
        %dma_wait3A_229 = arith.constant 0 : i32
        %dma_wait3A_230 = arith.constant 0 : i32
        %dma_wait3A_231 = tpu.memref_slice %arg6[%dma_wait3A_228, %dma_wait3A_229, %dma_wait3A_230] : memref<2x384x16xf32, #tpu.memory_space<vmem>> -> memref<1x384x16xf32, #tpu.memory_space<vmem>>
        %dma_wait3A_232 = tpu.memref_squeeze %dma_wait3A_231 : memref<1x384x16xf32, #tpu.memory_space<vmem>> -> memref<384x16xf32, #tpu.memory_space<vmem>>
        %dma_wait3A_233 = arith.constant 0 : i32
        %dma_wait3A_234 = tpu.memref_slice %arg4[%mul3A_4, %dma_wait3A_233] : memref<1437696x16xf32, #tpu.memory_space<hbm>> -> memref<384x16xf32, #tpu.memory_space<hbm>>
        %dma_wait3A_235 = arith.constant 0 : i32
        %dma_wait3A_236 = tpu.memref_slice %arg4[%mul3A_4, %dma_wait3A_235] : memref<1437696x16xf32, #tpu.memory_space<hbm>> -> memref<384x16xf32, #tpu.memory_space<hbm>>
        %dma_wait3A_237 = arith.constant 0 : i32
        %dma_wait3A_238 = arith.constant 0 : i32
        %dma_wait3A_239 = tpu.memref_slice %arg6[%dma_wait3A_228, %dma_wait3A_237, %dma_wait3A_238] : memref<2x384x16xf32, #tpu.memory_space<vmem>> -> memref<1x384x16xf32, #tpu.memory_space<vmem>>
        %dma_wait3A_240 = tpu.memref_squeeze %dma_wait3A_239 : memref<1x384x16xf32, #tpu.memory_space<vmem>> -> memref<384x16xf32, #tpu.memory_space<vmem>>
        tpu.wait_dma2 semaphore(%arg10 : memref<!tpu.dma_semaphore, #tpu.memory_space<semaphore_mem>>) src(%dma_wait3A_240 : memref<384x16xf32, #tpu.memory_space<vmem>>) dst(%dma_wait3A_236 : memref<384x16xf32, #tpu.memory_space<hbm>>)
      } else {
      }
      %dma_start3A_131 = arith.constant 0 : i32
      %dma_start3A_132 = arith.constant 0 : i32
      %dma_start3A_133 = arith.constant 0 : i32
      %dma_start3A_134 = arith.constant 0 : i32
      %dma_start3A_135 = tpu.memref_slice %arg6[%dma_start3A_132, %dma_start3A_133, %dma_start3A_134] : memref<2x384x16xf32, #tpu.memory_space<vmem>> -> memref<1x384x16xf32, #tpu.memory_space<vmem>>
      %dma_start3A_136 = tpu.memref_squeeze %dma_start3A_135 : memref<1x384x16xf32, #tpu.memory_space<vmem>> -> memref<384x16xf32, #tpu.memory_space<vmem>>
      %dma_start3A_137 = arith.constant 0 : i32
      %dma_start3A_138 = tpu.memref_slice %arg5[%select_n3A_101, %dma_start3A_131, %dma_start3A_137] : memref<2x2x384xi32, #tpu.memory_space<vmem>> -> memref<1x1x384xi32, #tpu.memory_space<vmem>>
      %dma_start3A_139 = tpu.memref_squeeze %dma_start3A_138 : memref<1x1x384xi32, #tpu.memory_space<vmem>> -> memref<384xi32, #tpu.memory_space<vmem>>
      %dma_start3A_140 = arith.constant 0 : i32
      %dma_start3A_141 = arith.constant 0 : i32
      %dma_start3A_142 = tpu.memref_slice %arg7[%dma_start3A_140, %dma_start3A_141] : memref<50400x16xf32, #tpu.memory_space<vmem_shared>> -> memref<50400x16xf32, #tpu.memory_space<vmem_shared>>
      tpu.enqueue_indirect_dma source(%dma_start3A_142 : memref<50400x16xf32, #tpu.memory_space<vmem_shared>>) target(%dma_start3A_136 : memref<384x16xf32, #tpu.memory_space<vmem>>) offsets(%dma_start3A_139 : memref<384xi32, #tpu.memory_space<vmem>>) semaphore(%arg8 : memref<!tpu.dma_semaphore, #tpu.memory_space<semaphore_mem>>)
      %dma_start3A_143 = arith.constant 1 : i32
      %dma_start3A_144 = arith.constant 1 : i32
      %dma_start3A_145 = arith.constant 0 : i32
      %dma_start3A_146 = arith.constant 0 : i32
      %dma_start3A_147 = tpu.memref_slice %arg6[%dma_start3A_144, %dma_start3A_145, %dma_start3A_146] : memref<2x384x16xf32, #tpu.memory_space<vmem>> -> memref<1x384x16xf32, #tpu.memory_space<vmem>>
      %dma_start3A_148 = tpu.memref_squeeze %dma_start3A_147 : memref<1x384x16xf32, #tpu.memory_space<vmem>> -> memref<384x16xf32, #tpu.memory_space<vmem>>
      %dma_start3A_149 = arith.constant 0 : i32
      %dma_start3A_150 = tpu.memref_slice %arg5[%select_n3A_101, %dma_start3A_143, %dma_start3A_149] : memref<2x2x384xi32, #tpu.memory_space<vmem>> -> memref<1x1x384xi32, #tpu.memory_space<vmem>>
      %dma_start3A_151 = tpu.memref_squeeze %dma_start3A_150 : memref<1x1x384xi32, #tpu.memory_space<vmem>> -> memref<384xi32, #tpu.memory_space<vmem>>
      %dma_start3A_152 = arith.constant 0 : i32
      %dma_start3A_153 = arith.constant 0 : i32
      %dma_start3A_154 = tpu.memref_slice %arg7[%dma_start3A_152, %dma_start3A_153] : memref<50400x16xf32, #tpu.memory_space<vmem_shared>> -> memref<50400x16xf32, #tpu.memory_space<vmem_shared>>
      tpu.enqueue_indirect_dma source(%dma_start3A_154 : memref<50400x16xf32, #tpu.memory_space<vmem_shared>>) target(%dma_start3A_148 : memref<384x16xf32, #tpu.memory_space<vmem>>) offsets(%dma_start3A_151 : memref<384xi32, #tpu.memory_space<vmem>>) semaphore(%arg8 : memref<!tpu.dma_semaphore, #tpu.memory_space<semaphore_mem>>)
      %dma_wait3A_155 = arith.constant 0 : i32
      %dma_wait3A_156 = arith.constant 0 : i32
      %dma_wait3A_157 = arith.constant 0 : i32
      %dma_wait3A_158 = arith.constant 0 : i32
      %dma_wait3A_159 = tpu.memref_slice %arg6[%dma_wait3A_156, %dma_wait3A_157, %dma_wait3A_158] : memref<2x384x16xf32, #tpu.memory_space<vmem>> -> memref<1x384x16xf32, #tpu.memory_space<vmem>>
      %dma_wait3A_160 = tpu.memref_squeeze %dma_wait3A_159 : memref<1x384x16xf32, #tpu.memory_space<vmem>> -> memref<384x16xf32, #tpu.memory_space<vmem>>
      %dma_wait3A_161 = arith.constant 0 : i32
      %dma_wait3A_162 = tpu.memref_slice %arg5[%select_n3A_101, %dma_wait3A_155, %dma_wait3A_161] : memref<2x2x384xi32, #tpu.memory_space<vmem>> -> memref<1x1x384xi32, #tpu.memory_space<vmem>>
      %dma_wait3A_163 = tpu.memref_squeeze %dma_wait3A_162 : memref<1x1x384xi32, #tpu.memory_space<vmem>> -> memref<384xi32, #tpu.memory_space<vmem>>
      %dma_wait3A_164 = arith.constant 0 : i32
      %dma_wait3A_165 = arith.constant 0 : i32
      %dma_wait3A_166 = tpu.memref_slice %arg7[%dma_wait3A_164, %dma_wait3A_165] : memref<50400x16xf32, #tpu.memory_space<vmem_shared>> -> memref<50400x16xf32, #tpu.memory_space<vmem_shared>>
      tpu.wait_indirect_dma semaphore(%arg8 : memref<!tpu.dma_semaphore, #tpu.memory_space<semaphore_mem>>) src(%dma_wait3A_166 : memref<50400x16xf32, #tpu.memory_space<vmem_shared>>) dst(%dma_wait3A_160 : memref<384x16xf32, #tpu.memory_space<vmem>>)
      %add3A_167 = arith.constant 0 : i32
      %add3A_168 = arith.addi %mul3A_92, %add3A_167 : i32
      %mul3A_169 = arith.constant 384 : i32
      %mul3A_170 = arith.muli %add3A_168, %mul3A_169 : i32
      %add3A_171 = arith.addi %mul3A_4, %mul3A_170 : i32
      %dma_start3A_172 = arith.constant 0 : i32
      %dma_start3A_173 = arith.constant 0 : i32
      %dma_start3A_174 = arith.constant 0 : i32
      %dma_start3A_175 = tpu.memref_slice %arg6[%dma_start3A_172, %dma_start3A_173, %dma_start3A_174] : memref<2x384x16xf32, #tpu.memory_space<vmem>> -> memref<1x384x16xf32, #tpu.memory_space<vmem>>
      %dma_start3A_176 = tpu.memref_squeeze %dma_start3A_175 : memref<1x384x16xf32, #tpu.memory_space<vmem>> -> memref<384x16xf32, #tpu.memory_space<vmem>>
      %dma_start3A_177 = arith.constant 0 : i32
      %dma_start3A_178 = tpu.memref_slice %arg4[%add3A_171, %dma_start3A_177] : memref<1437696x16xf32, #tpu.memory_space<hbm>> -> memref<384x16xf32, #tpu.memory_space<hbm>>
      %dma_start3A_179 = arith.constant 0 : i32
      %dma_start3A_180 = tpu.memref_slice %arg4[%add3A_171, %dma_start3A_179] : memref<1437696x16xf32, #tpu.memory_space<hbm>> -> memref<384x16xf32, #tpu.memory_space<hbm>>
      %dma_start3A_181 = arith.constant 0 : i32
      %dma_start3A_182 = arith.constant 0 : i32
      %dma_start3A_183 = tpu.memref_slice %arg6[%dma_start3A_172, %dma_start3A_181, %dma_start3A_182] : memref<2x384x16xf32, #tpu.memory_space<vmem>> -> memref<1x384x16xf32, #tpu.memory_space<vmem>>
      %dma_start3A_184 = tpu.memref_squeeze %dma_start3A_183 : memref<1x384x16xf32, #tpu.memory_space<vmem>> -> memref<384x16xf32, #tpu.memory_space<vmem>>
      tpu.enqueue_dma source(%dma_start3A_184 : memref<384x16xf32, #tpu.memory_space<vmem>>) target(%dma_start3A_180 : memref<384x16xf32, #tpu.memory_space<hbm>>) target_semaphore(%arg10 : memref<!tpu.dma_semaphore, #tpu.memory_space<semaphore_mem>>)
      %dma_wait3A_185 = arith.constant 1 : i32
      %dma_wait3A_186 = arith.constant 1 : i32
      %dma_wait3A_187 = arith.constant 0 : i32
      %dma_wait3A_188 = arith.constant 0 : i32
      %dma_wait3A_189 = tpu.memref_slice %arg6[%dma_wait3A_186, %dma_wait3A_187, %dma_wait3A_188] : memref<2x384x16xf32, #tpu.memory_space<vmem>> -> memref<1x384x16xf32, #tpu.memory_space<vmem>>
      %dma_wait3A_190 = tpu.memref_squeeze %dma_wait3A_189 : memref<1x384x16xf32, #tpu.memory_space<vmem>> -> memref<384x16xf32, #tpu.memory_space<vmem>>
      %dma_wait3A_191 = arith.constant 0 : i32
      %dma_wait3A_192 = tpu.memref_slice %arg5[%select_n3A_101, %dma_wait3A_185, %dma_wait3A_191] : memref<2x2x384xi32, #tpu.memory_space<vmem>> -> memref<1x1x384xi32, #tpu.memory_space<vmem>>
      %dma_wait3A_193 = tpu.memref_squeeze %dma_wait3A_192 : memref<1x1x384xi32, #tpu.memory_space<vmem>> -> memref<384xi32, #tpu.memory_space<vmem>>
      %dma_wait3A_194 = arith.constant 0 : i32
      %dma_wait3A_195 = arith.constant 0 : i32
      %dma_wait3A_196 = tpu.memref_slice %arg7[%dma_wait3A_194, %dma_wait3A_195] : memref<50400x16xf32, #tpu.memory_space<vmem_shared>> -> memref<50400x16xf32, #tpu.memory_space<vmem_shared>>
      tpu.wait_indirect_dma semaphore(%arg8 : memref<!tpu.dma_semaphore, #tpu.memory_space<semaphore_mem>>) src(%dma_wait3A_196 : memref<50400x16xf32, #tpu.memory_space<vmem_shared>>) dst(%dma_wait3A_190 : memref<384x16xf32, #tpu.memory_space<vmem>>)
      %add3A_197 = arith.constant 1 : i32
      %add3A_198 = arith.addi %mul3A_92, %add3A_197 : i32
      %mul3A_199 = arith.constant 384 : i32
      %mul3A_200 = arith.muli %add3A_198, %mul3A_199 : i32
      %add3A_201 = arith.addi %mul3A_4, %mul3A_200 : i32
      %dma_start3A_202 = arith.constant 1 : i32
      %dma_start3A_203 = arith.constant 0 : i32
      %dma_start3A_204 = arith.constant 0 : i32
      %dma_start3A_205 = tpu.memref_slice %arg6[%dma_start3A_202, %dma_start3A_203, %dma_start3A_204] : memref<2x384x16xf32, #tpu.memory_space<vmem>> -> memref<1x384x16xf32, #tpu.memory_space<vmem>>
      %dma_start3A_206 = tpu.memref_squeeze %dma_start3A_205 : memref<1x384x16xf32, #tpu.memory_space<vmem>> -> memref<384x16xf32, #tpu.memory_space<vmem>>
      %dma_start3A_207 = arith.constant 0 : i32
      %dma_start3A_208 = tpu.memref_slice %arg4[%add3A_201, %dma_start3A_207] : memref<1437696x16xf32, #tpu.memory_space<hbm>> -> memref<384x16xf32, #tpu.memory_space<hbm>>
      %dma_start3A_209 = arith.constant 0 : i32
      %dma_start3A_210 = tpu.memref_slice %arg4[%add3A_201, %dma_start3A_209] : memref<1437696x16xf32, #tpu.memory_space<hbm>> -> memref<384x16xf32, #tpu.memory_space<hbm>>
      %dma_start3A_211 = arith.constant 0 : i32
      %dma_start3A_212 = arith.constant 0 : i32
      %dma_start3A_213 = tpu.memref_slice %arg6[%dma_start3A_202, %dma_start3A_211, %dma_start3A_212] : memref<2x384x16xf32, #tpu.memory_space<vmem>> -> memref<1x384x16xf32, #tpu.memory_space<vmem>>
      %dma_start3A_214 = tpu.memref_squeeze %dma_start3A_213 : memref<1x384x16xf32, #tpu.memory_space<vmem>> -> memref<384x16xf32, #tpu.memory_space<vmem>>
      tpu.enqueue_dma source(%dma_start3A_214 : memref<384x16xf32, #tpu.memory_space<vmem>>) target(%dma_start3A_210 : memref<384x16xf32, #tpu.memory_space<hbm>>) target_semaphore(%arg10 : memref<!tpu.dma_semaphore, #tpu.memory_space<semaphore_mem>>)
    }
    %scan3A_35 = arith.constant 58 : i32
    %dma_wait3A = arith.constant 0 : i32
    %dma_wait3A_36 = arith.constant 0 : i32
    %dma_wait3A_37 = arith.constant 0 : i32
    %dma_wait3A_38 = tpu.memref_slice %arg6[%dma_wait3A, %dma_wait3A_36, %dma_wait3A_37] : memref<2x384x16xf32, #tpu.memory_space<vmem>> -> memref<1x384x16xf32, #tpu.memory_space<vmem>>
    %dma_wait3A_39 = tpu.memref_squeeze %dma_wait3A_38 : memref<1x384x16xf32, #tpu.memory_space<vmem>> -> memref<384x16xf32, #tpu.memory_space<vmem>>
    %dma_wait3A_40 = arith.constant 0 : i32
    %dma_wait3A_41 = tpu.memref_slice %arg4[%mul3A_4, %dma_wait3A_40] : memref<1437696x16xf32, #tpu.memory_space<hbm>> -> memref<384x16xf32, #tpu.memory_space<hbm>>
    %dma_wait3A_42 = arith.constant 0 : i32
    %dma_wait3A_43 = tpu.memref_slice %arg4[%mul3A_4, %dma_wait3A_42] : memref<1437696x16xf32, #tpu.memory_space<hbm>> -> memref<384x16xf32, #tpu.memory_space<hbm>>
    %dma_wait3A_44 = arith.constant 0 : i32
    %dma_wait3A_45 = arith.constant 0 : i32
    %dma_wait3A_46 = tpu.memref_slice %arg6[%dma_wait3A, %dma_wait3A_44, %dma_wait3A_45] : memref<2x384x16xf32, #tpu.memory_space<vmem>> -> memref<1x384x16xf32, #tpu.memory_space<vmem>>
    %dma_wait3A_47 = tpu.memref_squeeze %dma_wait3A_46 : memref<1x384x16xf32, #tpu.memory_space<vmem>> -> memref<384x16xf32, #tpu.memory_space<vmem>>
    tpu.wait_dma2 semaphore(%arg10 : memref<!tpu.dma_semaphore, #tpu.memory_space<semaphore_mem>>) src(%dma_wait3A_47 : memref<384x16xf32, #tpu.memory_space<vmem>>) dst(%dma_wait3A_43 : memref<384x16xf32, #tpu.memory_space<hbm>>)
    %dma_wait3A_48 = arith.constant 1 : i32
    %dma_wait3A_49 = arith.constant 0 : i32
    %dma_wait3A_50 = arith.constant 0 : i32
    %dma_wait3A_51 = tpu.memref_slice %arg6[%dma_wait3A_48, %dma_wait3A_49, %dma_wait3A_50] : memref<2x384x16xf32, #tpu.memory_space<vmem>> -> memref<1x384x16xf32, #tpu.memory_space<vmem>>
    %dma_wait3A_52 = tpu.memref_squeeze %dma_wait3A_51 : memref<1x384x16xf32, #tpu.memory_space<vmem>> -> memref<384x16xf32, #tpu.memory_space<vmem>>
    %dma_wait3A_53 = arith.constant 0 : i32
    %dma_wait3A_54 = tpu.memref_slice %arg4[%mul3A_4, %dma_wait3A_53] : memref<1437696x16xf32, #tpu.memory_space<hbm>> -> memref<384x16xf32, #tpu.memory_space<hbm>>
    %dma_wait3A_55 = arith.constant 0 : i32
    %dma_wait3A_56 = tpu.memref_slice %arg4[%mul3A_4, %dma_wait3A_55] : memref<1437696x16xf32, #tpu.memory_space<hbm>> -> memref<384x16xf32, #tpu.memory_space<hbm>>
    %dma_wait3A_57 = arith.constant 0 : i32
    %dma_wait3A_58 = arith.constant 0 : i32
    %dma_wait3A_59 = tpu.memref_slice %arg6[%dma_wait3A_48, %dma_wait3A_57, %dma_wait3A_58] : memref<2x384x16xf32, #tpu.memory_space<vmem>> -> memref<1x384x16xf32, #tpu.memory_space<vmem>>
    %dma_wait3A_60 = tpu.memref_squeeze %dma_wait3A_59 : memref<1x384x16xf32, #tpu.memory_space<vmem>> -> memref<384x16xf32, #tpu.memory_space<vmem>>
    tpu.wait_dma2 semaphore(%arg10 : memref<!tpu.dma_semaphore, #tpu.memory_space<semaphore_mem>>) src(%dma_wait3A_60 : memref<384x16xf32, #tpu.memory_space<vmem>>) dst(%dma_wait3A_56 : memref<384x16xf32, #tpu.memory_space<hbm>>)
    %run_scoped3A = arith.constant 0 : i32
    "tpu.region"() ({
      %run_scoped3A_90 = tpu.sem_alloc : memref<!tpu.dma_semaphore, #tpu.memory_space<semaphore_mem>>
      %dma_start3A_91 = arith.constant 0 : i32
      %dma_start3A_92 = arith.constant 0 : i32
      %dma_start3A_93 = tpu.memref_slice %arg5[%run_scoped3A, %dma_start3A_91, %dma_start3A_92] : memref<2x2x384xi32, #tpu.memory_space<vmem>> -> memref<1x1x384xi32, #tpu.memory_space<vmem>>
      %dma_start3A_94 = tpu.memref_squeeze %dma_start3A_93 : memref<1x1x384xi32, #tpu.memory_space<vmem>> -> memref<1x384xi32, #tpu.memory_space<vmem>>
      %dma_start3A_95 = arith.constant 0 : i32
      %dma_start3A_96 = arith.constant 0 : i32
      %dma_start3A_97 = tpu.memref_slice %arg3[%add3A, %dma_start3A_95, %dma_start3A_96] : memref<32x117x384xi32, #tpu.memory_space<hbm>> -> memref<1x117x384xi32, #tpu.memory_space<hbm>>
      %dma_start3A_98 = tpu.memref_squeeze %dma_start3A_97 : memref<1x117x384xi32, #tpu.memory_space<hbm>> -> memref<117x384xi32, #tpu.memory_space<hbm>>
      %dma_start3A_99 = arith.constant 116 : i32
      %dma_start3A_100 = arith.constant 0 : i32
      %dma_start3A_101 = tpu.memref_slice %dma_start3A_98[%dma_start3A_99, %dma_start3A_100] : memref<117x384xi32, #tpu.memory_space<hbm>> -> memref<1x384xi32, #tpu.memory_space<hbm>>
      %dma_start3A_102 = arith.constant 0 : i32
      %dma_start3A_103 = arith.constant 0 : i32
      %dma_start3A_104 = tpu.memref_slice %arg5[%run_scoped3A, %dma_start3A_102, %dma_start3A_103] : memref<2x2x384xi32, #tpu.memory_space<vmem>> -> memref<1x1x384xi32, #tpu.memory_space<vmem>>
      %dma_start3A_105 = tpu.memref_squeeze %dma_start3A_104 : memref<1x1x384xi32, #tpu.memory_space<vmem>> -> memref<1x384xi32, #tpu.memory_space<vmem>>
      %dma_start3A_106 = arith.constant 0 : i32
      %dma_start3A_107 = arith.constant 0 : i32
      %dma_start3A_108 = tpu.memref_slice %arg3[%add3A, %dma_start3A_106, %dma_start3A_107] : memref<32x117x384xi32, #tpu.memory_space<hbm>> -> memref<1x117x384xi32, #tpu.memory_space<hbm>>
      %dma_start3A_109 = tpu.memref_squeeze %dma_start3A_108 : memref<1x117x384xi32, #tpu.memory_space<hbm>> -> memref<117x384xi32, #tpu.memory_space<hbm>>
      %dma_start3A_110 = arith.constant 116 : i32
      %dma_start3A_111 = arith.constant 0 : i32
      %dma_start3A_112 = tpu.memref_slice %dma_start3A_109[%dma_start3A_110, %dma_start3A_111] : memref<117x384xi32, #tpu.memory_space<hbm>> -> memref<1x384xi32, #tpu.memory_space<hbm>>
      tpu.enqueue_dma source(%dma_start3A_112 : memref<1x384xi32, #tpu.memory_space<hbm>>) target(%dma_start3A_105 : memref<1x384xi32, #tpu.memory_space<vmem>>) target_semaphore(%run_scoped3A_90 : memref<!tpu.dma_semaphore, #tpu.memory_space<semaphore_mem>>)
      %dma_wait3A_113 = arith.constant 0 : i32
      %dma_wait3A_114 = arith.constant 0 : i32
      %dma_wait3A_115 = tpu.memref_slice %arg5[%run_scoped3A, %dma_wait3A_113, %dma_wait3A_114] : memref<2x2x384xi32, #tpu.memory_space<vmem>> -> memref<1x1x384xi32, #tpu.memory_space<vmem>>
      %dma_wait3A_116 = tpu.memref_squeeze %dma_wait3A_115 : memref<1x1x384xi32, #tpu.memory_space<vmem>> -> memref<1x384xi32, #tpu.memory_space<vmem>>
      %dma_wait3A_117 = arith.constant 0 : i32
      %dma_wait3A_118 = arith.constant 0 : i32
      %dma_wait3A_119 = tpu.memref_slice %arg3[%add3A, %dma_wait3A_117, %dma_wait3A_118] : memref<32x117x384xi32, #tpu.memory_space<hbm>> -> memref<1x117x384xi32, #tpu.memory_space<hbm>>
      %dma_wait3A_120 = tpu.memref_squeeze %dma_wait3A_119 : memref<1x117x384xi32, #tpu.memory_space<hbm>> -> memref<117x384xi32, #tpu.memory_space<hbm>>
      %dma_wait3A_121 = arith.constant 116 : i32
      %dma_wait3A_122 = arith.constant 0 : i32
      %dma_wait3A_123 = tpu.memref_slice %dma_wait3A_120[%dma_wait3A_121, %dma_wait3A_122] : memref<117x384xi32, #tpu.memory_space<hbm>> -> memref<1x384xi32, #tpu.memory_space<hbm>>
      %dma_wait3A_124 = arith.constant 0 : i32
      %dma_wait3A_125 = arith.constant 0 : i32
      %dma_wait3A_126 = tpu.memref_slice %arg5[%run_scoped3A, %dma_wait3A_124, %dma_wait3A_125] : memref<2x2x384xi32, #tpu.memory_space<vmem>> -> memref<1x1x384xi32, #tpu.memory_space<vmem>>
      %dma_wait3A_127 = tpu.memref_squeeze %dma_wait3A_126 : memref<1x1x384xi32, #tpu.memory_space<vmem>> -> memref<1x384xi32, #tpu.memory_space<vmem>>
      %dma_wait3A_128 = arith.constant 0 : i32
      %dma_wait3A_129 = arith.constant 0 : i32
      %dma_wait3A_130 = tpu.memref_slice %arg3[%add3A, %dma_wait3A_128, %dma_wait3A_129] : memref<32x117x384xi32, #tpu.memory_space<hbm>> -> memref<1x117x384xi32, #tpu.memory_space<hbm>>
      %dma_wait3A_131 = tpu.memref_squeeze %dma_wait3A_130 : memref<1x117x384xi32, #tpu.memory_space<hbm>> -> memref<117x384xi32, #tpu.memory_space<hbm>>
      %dma_wait3A_132 = arith.constant 116 : i32
      %dma_wait3A_133 = arith.constant 0 : i32
      %dma_wait3A_134 = tpu.memref_slice %dma_wait3A_131[%dma_wait3A_132, %dma_wait3A_133] : memref<117x384xi32, #tpu.memory_space<hbm>> -> memref<1x384xi32, #tpu.memory_space<hbm>>
      tpu.wait_dma2 semaphore(%run_scoped3A_90 : memref<!tpu.dma_semaphore, #tpu.memory_space<semaphore_mem>>) src(%dma_wait3A_134 : memref<1x384xi32, #tpu.memory_space<hbm>>) dst(%dma_wait3A_127 : memref<1x384xi32, #tpu.memory_space<vmem>>)
      tpu.yield
    }) : () -> ()
    %dma_start3A_61 = arith.constant 0 : i32
    %dma_start3A_62 = arith.constant 0 : i32
    %dma_start3A_63 = arith.constant 0 : i32
    %dma_start3A_64 = arith.constant 0 : i32
    %dma_start3A_65 = arith.constant 0 : i32
    %dma_start3A_66 = tpu.memref_slice %arg6[%dma_start3A_63, %dma_start3A_64, %dma_start3A_65] : memref<2x384x16xf32, #tpu.memory_space<vmem>> -> memref<1x384x16xf32, #tpu.memory_space<vmem>>
    %dma_start3A_67 = tpu.memref_squeeze %dma_start3A_66 : memref<1x384x16xf32, #tpu.memory_space<vmem>> -> memref<384x16xf32, #tpu.memory_space<vmem>>
    %dma_start3A_68 = arith.constant 0 : i32
    %dma_start3A_69 = tpu.memref_slice %arg5[%dma_start3A_61, %dma_start3A_62, %dma_start3A_68] : memref<2x2x384xi32, #tpu.memory_space<vmem>> -> memref<1x1x384xi32, #tpu.memory_space<vmem>>
    %dma_start3A_70 = tpu.memref_squeeze %dma_start3A_69 : memref<1x1x384xi32, #tpu.memory_space<vmem>> -> memref<384xi32, #tpu.memory_space<vmem>>
    %dma_start3A_71 = arith.constant 0 : i32
    %dma_start3A_72 = arith.constant 0 : i32
    %dma_start3A_73 = tpu.memref_slice %arg7[%dma_start3A_71, %dma_start3A_72] : memref<50400x16xf32, #tpu.memory_space<vmem_shared>> -> memref<50400x16xf32, #tpu.memory_space<vmem_shared>>
    tpu.enqueue_indirect_dma source(%dma_start3A_73 : memref<50400x16xf32, #tpu.memory_space<vmem_shared>>) target(%dma_start3A_67 : memref<384x16xf32, #tpu.memory_space<vmem>>) offsets(%dma_start3A_70 : memref<384xi32, #tpu.memory_space<vmem>>) semaphore(%arg8 : memref<!tpu.dma_semaphore, #tpu.memory_space<semaphore_mem>>)
    %dma_wait3A_74 = arith.constant 0 : i32
    %dma_wait3A_75 = arith.constant 0 : i32
    %dma_wait3A_76 = arith.constant 0 : i32
    %dma_wait3A_77 = arith.constant 0 : i32
    %dma_wait3A_78 = arith.constant 0 : i32
    %dma_wait3A_79 = tpu.memref_slice %arg6[%dma_wait3A_76, %dma_wait3A_77, %dma_wait3A_78] : memref<2x384x16xf32, #tpu.memory_space<vmem>> -> memref<1x384x16xf32, #tpu.memory_space<vmem>>
    %dma_wait3A_80 = tpu.memref_squeeze %dma_wait3A_79 : memref<1x384x16xf32, #tpu.memory_space<vmem>> -> memref<384x16xf32, #tpu.memory_space<vmem>>
    %dma_wait3A_81 = arith.constant 0 : i32
    %dma_wait3A_82 = tpu.memref_slice %arg5[%dma_wait3A_74, %dma_wait3A_75, %dma_wait3A_81] : memref<2x2x384xi32, #tpu.memory_space<vmem>> -> memref<1x1x384xi32, #tpu.memory_space<vmem>>
    %dma_wait3A_83 = tpu.memref_squeeze %dma_wait3A_82 : memref<1x1x384xi32, #tpu.memory_space<vmem>> -> memref<384xi32, #tpu.memory_space<vmem>>
    %dma_wait3A_84 = arith.constant 0 : i32
    %dma_wait3A_85 = arith.constant 0 : i32
    %dma_wait3A_86 = tpu.memref_slice %arg7[%dma_wait3A_84, %dma_wait3A_85] : memref<50400x16xf32, #tpu.memory_space<vmem_shared>> -> memref<50400x16xf32, #tpu.memory_space<vmem_shared>>
    tpu.wait_indirect_dma semaphore(%arg8 : memref<!tpu.dma_semaphore, #tpu.memory_space<semaphore_mem>>) src(%dma_wait3A_86 : memref<50400x16xf32, #tpu.memory_space<vmem_shared>>) dst(%dma_wait3A_80 : memref<384x16xf32, #tpu.memory_space<vmem>>)
    %add3A_87 = arith.constant 44544 : i32
    %add3A_88 = arith.addi %mul3A_4, %add3A_87 : i32
    %run_scoped3A_89 = arith.constant 0 : i32
    "tpu.region"() ({
      %run_scoped3A_90 = tpu.sem_alloc : memref<!tpu.dma_semaphore, #tpu.memory_space<semaphore_mem>>
      %dma_start3A_91 = arith.constant 0 : i32
      %dma_start3A_92 = arith.constant 0 : i32
      %dma_start3A_93 = tpu.memref_slice %arg6[%run_scoped3A_89, %dma_start3A_91, %dma_start3A_92] : memref<2x384x16xf32, #tpu.memory_space<vmem>> -> memref<1x384x16xf32, #tpu.memory_space<vmem>>
      %dma_start3A_94 = tpu.memref_squeeze %dma_start3A_93 : memref<1x384x16xf32, #tpu.memory_space<vmem>> -> memref<384x16xf32, #tpu.memory_space<vmem>>
      %dma_start3A_95 = arith.constant 0 : i32
      %dma_start3A_96 = tpu.memref_slice %arg4[%add3A_88, %dma_start3A_95] : memref<1437696x16xf32, #tpu.memory_space<hbm>> -> memref<384x16xf32, #tpu.memory_space<hbm>>
      %dma_start3A_97 = arith.constant 0 : i32
      %dma_start3A_98 = tpu.memref_slice %arg4[%add3A_88, %dma_start3A_97] : memref<1437696x16xf32, #tpu.memory_space<hbm>> -> memref<384x16xf32, #tpu.memory_space<hbm>>
      %dma_start3A_99 = arith.constant 0 : i32
      %dma_start3A_100 = arith.constant 0 : i32
      %dma_start3A_101 = tpu.memref_slice %arg6[%run_scoped3A_89, %dma_start3A_99, %dma_start3A_100] : memref<2x384x16xf32, #tpu.memory_space<vmem>> -> memref<1x384x16xf32, #tpu.memory_space<vmem>>
      %dma_start3A_102 = tpu.memref_squeeze %dma_start3A_101 : memref<1x384x16xf32, #tpu.memory_space<vmem>> -> memref<384x16xf32, #tpu.memory_space<vmem>>
      tpu.enqueue_dma source(%dma_start3A_102 : memref<384x16xf32, #tpu.memory_space<vmem>>) target(%dma_start3A_98 : memref<384x16xf32, #tpu.memory_space<hbm>>) target_semaphore(%run_scoped3A_90 : memref<!tpu.dma_semaphore, #tpu.memory_space<semaphore_mem>>)
      %dma_wait3A_103 = arith.constant 0 : i32
      %dma_wait3A_104 = arith.constant 0 : i32
      %dma_wait3A_105 = tpu.memref_slice %arg6[%run_scoped3A_89, %dma_wait3A_103, %dma_wait3A_104] : memref<2x384x16xf32, #tpu.memory_space<vmem>> -> memref<1x384x16xf32, #tpu.memory_space<vmem>>
      %dma_wait3A_106 = tpu.memref_squeeze %dma_wait3A_105 : memref<1x384x16xf32, #tpu.memory_space<vmem>> -> memref<384x16xf32, #tpu.memory_space<vmem>>
      %dma_wait3A_107 = arith.constant 0 : i32
      %dma_wait3A_108 = tpu.memref_slice %arg4[%add3A_88, %dma_wait3A_107] : memref<1437696x16xf32, #tpu.memory_space<hbm>> -> memref<384x16xf32, #tpu.memory_space<hbm>>
      %dma_wait3A_109 = arith.constant 0 : i32
      %dma_wait3A_110 = tpu.memref_slice %arg4[%add3A_88, %dma_wait3A_109] : memref<1437696x16xf32, #tpu.memory_space<hbm>> -> memref<384x16xf32, #tpu.memory_space<hbm>>
      %dma_wait3A_111 = arith.constant 0 : i32
      %dma_wait3A_112 = arith.constant 0 : i32
      %dma_wait3A_113 = tpu.memref_slice %arg6[%run_scoped3A_89, %dma_wait3A_111, %dma_wait3A_112] : memref<2x384x16xf32, #tpu.memory_space<vmem>> -> memref<1x384x16xf32, #tpu.memory_space<vmem>>
      %dma_wait3A_114 = tpu.memref_squeeze %dma_wait3A_113 : memref<1x384x16xf32, #tpu.memory_space<vmem>> -> memref<384x16xf32, #tpu.memory_space<vmem>>
      tpu.wait_dma2 semaphore(%run_scoped3A_90 : memref<!tpu.dma_semaphore, #tpu.memory_space<semaphore_mem>>) src(%dma_wait3A_114 : memref<384x16xf32, #tpu.memory_space<vmem>>) dst(%dma_wait3A_110 : memref<384x16xf32, #tpu.memory_space<hbm>>)
      tpu.yield
    }) : () -> ()
    return
  }
}

</mosaic_0001>

<sc_bundles>
// kernel: _sc_gather.3.cloned.1.call-start
scs
__scs_entry_jumppad:
0x0: {  	(pc) =	sbr.rel $0x88, $3  }
0x1: {  	(tag) =	ssettag $0x0;
	lr =	simm.s32 $0x1  }
0x2: {  	[smem:$0x3F9F] =	sst lr;
	_ =	strace $0xD0000000  }
0x3: {  	_ = 	snop  }
0x4: {  	_ = 	snop  }
0x5: {  	_ = 	snop  }
0x6: {  	_ = 	snop  }
0x7: {  	_ = 	snop  }
__scs_overlays_trampoline_lowered:
0x8: {  	[smem:$0x3FAE] =	sst s0  }
0x9: {  	[smem:$0x3FAF] =	sst s1  }
0xa: {  	[smem:$0x3FB0] =	sst s2  }
0xb: {  	[smem:$0x3FB1] =	sst s3  }
0xc: {  	[smem:$0x3FB2] =	sst s4  }
0xd: {  	[smem:$0x3FB3] =	sst s5  }
0xe: {  	[smem:$0x3FB4] =	sst s6  }
0xf: {  	[smem:$0x3FB5] =	sst s7  }
0x10: {  	[smem:$0x3FB6] =	sst s8  }
0x11: {  	[smem:$0x3FB7] =	sst s9;
	s0 =	simm.s32 @!p0 $0x0  }
0x12: {  	s1 =	sld [smem:$0x3F9D];
	s0 =	simm.s32 @p0 $0x1  }
0x13: {  	[smem:$0x3FB8] =	sst s0;
	s0 =	simm.s32 @!p1 $0x0  }
0x14: {  	s2 =	sld [smem:$0x3F9C];
	s0 =	simm.s32 @p1 $0x1  }
0x15: {  	[smem:$0x3FB9] =	sst s0;
	s0 =	simm.s32 @!p2 $0x0  }
0x16: {  	s3 =	sld [smem:$0x3FDB];
	s0 =	simm.s32 @p2 $0x1  }
0x17: {  	s4 =	simm.s32 $0x1BF5;
	[smem:$0x3FBB] =	sst s0  }
0x18: {  	s0 =	sld [smem:$0x3F9E];
	_ =	swait.ge [sflag:s4], $0x0  }
0x19: {  	s7 =	sld [smem:$0x3F9F]  }
0x1a: {  	s8 =	sadd.s32 $0xFFFFE003, lr  }
0x1b: {  	s9 =	sadd.s32 $0xFFFFFEF7, lr;
	s5 =	simm.s32 $0xFFFFFFFF;
	p2 =	slt.u32 s8, $0xFFFFF086  }
0x1c: {  	p1 =	slt.u32 s9, $0xF7A;
	s5 =	simm.s32 @!p2 $0x0  }
0x1d: {  	s5 =	simm.s32 @p1 $0x1;
	p0 =	seq.s32 s7, s2  }
0x1e: {  	s7 =	smul.u32 @!p0 $0xF7A, s2;
	p2 =	seq.s32 @!p0 s5, $0x0  }
0x1f: {  	s9 =	smul.u32 $0xF7A, s1;
	s8 =	simm.s32 @!p0 $0x1BF5;
	p2 =	por !p2, p0  }
0x20: {  	[sflag:s8] =	ssyncset.s32 @!p0 $0xFFFFF086;
	s6 =	sadd.s32 @!p0 s3, s7;
	s7 =	simm.s32 @!p0 $0x108  }
0x21: {  	s3 =	sadd.s32 s3, s9;
	s6 =	sadd.s32 @!p0 $0x88, s6;
	s7 =	simm.s32 @p2 $0x1082  }
0x22: {  	[simem:s7], [sflag:s8] =	dma.local @!p0 [hbm:s6], $0xF7A  }
0x23: {  	s9 =	sor.u32 $0xD0000000, s2;
	s6 =	simm.s32 $0x108;
	_ =	swait.ge @!p0 [sflag:s8], $0x0  }
0x24: {  	s3 =	sadd.s32 $0x88, s3;
	s6 =	simm.s32 @!p1 $0x1082;
	[sflag:s4] =	ssyncset.s32 $0xFFFFF086  }
0x25: {  	[simem:s6], [sflag:s4] =	dma.local [hbm:s3], $0xF7A  }
0x26: {  	[smem:$0x3F9F] =	sst s1;
	(tag) =	ssettag s2;
	_ =	strace s9  }
0x27: {  	s1 =	sld [smem:$0x3FAF]  }
0x28: {  	s2 =	sld [smem:$0x3FB0]  }
0x29: {  	s4 =	sld [smem:$0x3FB2]  }
0x2a: {  	p0 =	seq.s32 s5, $0x0;
	s5 =	sld [smem:$0x3FB3]  }
0x2b: {  	s6 =	sld [smem:$0x3FB4]  }
0x2c: {  	s7 =	sld [smem:$0x3FB5]  }
0x2d: {  	s3 =	simm.s32 $0x108;
	s8 =	sld [smem:$0x3FB6]  }
0x2e: {  	s3 =	simm.s32 @!p0 $0x1082;
	s9 =	sld [smem:$0x3FB7]  }
0x2f: {  	lr =	sadd.s32 s0, s3;
	s0 =	sld [smem:$0x3FAE]  }
0x30: {  	s3 =	sld [smem:$0x3FB1]  }
0x31: {  	[smem:$0x3FBA] =	sst s10  }
0x32: {  	s10 =	sld [smem:$0x3FB8];
	_ =	sdelay $0x3  }
0x33: {  	p0 =	seq.s32 s10, $0x1;
	s10 =	sld [smem:$0x3FBA];
	_ =	sdelay $0x3  }
0x34: {  	[smem:$0x3FBA] =	sst s10  }
0x35: {  	s10 =	sld [smem:$0x3FB9];
	_ =	sdelay $0x3  }
0x36: {  	p1 =	seq.s32 s10, $0x1;
	s10 =	sld [smem:$0x3FBA];
	_ =	sdelay $0x3  }
0x37: {  	[smem:$0x3FBA] =	sst s10  }
0x38: {  	s10 =	sld [smem:$0x3FBB]  }
0x39: {  	_ = 	snop;
	(pc) =	sbr.ind lr, $3  }
0x3a: {  	_ = 	snop  }
0x3b: {  	_ = 	snop  }
0x3c: {  	p2 =	seq.s32 s10, $0x1;
	s10 =	sld [smem:$0x3FBA]  }
0x3d: {  	_ =	shalt  }
0x3e: {  	_ =	shalt  }
0x3f: {  	_ =	shalt  }
0x40: {  	_ =	shalt  }
0x41: {  	_ =	shalt  }
0x42: {  	_ =	shalt  }
0x43: {  	_ =	shalt  }
0x44: {  	_ =	shalt  }
0x45: {  	_ =	shalt  }
0x46: {  	_ =	shalt  }
0x47: {  	_ =	shalt  }
0x48: {  	_ =	shalt  }
0x49: {  	_ =	shalt  }
0x4a: {  	_ =	shalt  }
0x4b: {  	_ =	shalt  }
0x4c: {  	_ =	shalt  }
0x4d: {  	_ =	shalt  }
0x4e: {  	_ =	shalt  }
0x4f: {  	_ =	shalt  }
0x50: {  	_ =	shalt  }
0x51: {  	_ =	shalt  }
0x52: {  	_ =	shalt  }
0x53: {  	_ =	shalt  }
0x54: {  	_ =	shalt  }
0x55: {  	_ =	shalt  }
0x56: {  	_ =	shalt  }
0x57: {  	_ =	shalt  }
0x58: {  	_ =	shalt  }
0x59: {  	_ =	shalt  }
0x5a: {  	_ =	shalt  }
0x5b: {  	_ =	shalt  }
0x5c: {  	_ =	shalt  }
0x5d: {  	_ =	shalt  }
0x5e: {  	_ =	shalt  }
0x5f: {  	_ =	shalt  }
0x60: {  	_ =	shalt  }
0x61: {  	_ =	shalt  }
0x62: {  	_ =	shalt  }
0x63: {  	_ =	shalt  }
0x64: {  	_ =	shalt  }
0x65: {  	_ =	shalt  }
0x66: {  	_ =	shalt  }
0x67: {  	_ =	shalt  }
0x68: {  	_ =	shalt  }
0x69: {  	_ =	shalt  }
0x6a: {  	_ =	shalt  }
0x6b: {  	_ =	shalt  }
0x6c: {  	_ =	shalt  }
0x6d: {  	_ =	shalt  }
0x6e: {  	_ =	shalt  }
0x6f: {  	_ =	shalt  }
0x70: {  	_ =	shalt  }
0x71: {  	_ =	shalt  }
0x72: {  	_ =	shalt  }
0x73: {  	_ =	shalt  }
0x74: {  	_ =	shalt  }
0x75: {  	_ =	shalt  }
0x76: {  	_ =	shalt  }
0x77: {  	_ =	shalt  }
0x78: {  	_ =	shalt  }
0x79: {  	_ =	shalt  }
0x7a: {  	_ =	shalt  }
0x7b: {  	_ =	shalt  }
0x7c: {  	_ =	shalt  }
0x7d: {  	_ =	shalt  }
0x7e: {  	_ =	shalt  }
0x7f: {  	_ =	shalt  }
0x80: {  	_ =	shalt  }
0x81: {  	_ =	shalt  }
0x82: {  	_ =	shalt  }
0x83: {  	_ =	shalt  }
0x84: {  	_ =	shalt  }
0x85: {  	_ =	shalt  }
0x86: {  	_ =	shalt  }
0x87: {  	_ =	shalt  }
.Lfunc_end0:
.L_simem_size_0:
called_computation.1_lowered:
.L_overlay_start_0:
0x88: {  	s2 =	sld [smem:$0x3FD9]  }
0x89: {  	s3 =	sld [smem:$0x3FFE];
	_ =	sdelay $0x1  }
0x8a: {  	s1 =	srdreg.scid  }
0x8b: {  	s0 =	sand.u32 $0x1, s1  }
0x8c: {  	s17 =	sshll.u32 s0, $0xA;
	s2 =	sadd.s32 s3, s2  }
0x8d: {  	s2 =	sadd.s32 s2, s17  }
0x8e: {  	[smem:$0x3FC6] =	sst s2  }
0x8f: {  	_ = 	snop  }
0x90: {  	s2 =	sld [smem:$0x3FD0];
	(tm) =	ssettm $0x1  }
0x91: {  	s18 =	sld [smem:$0x3FFB];
	_ =	sdelay $0x3  }
0x92: {  	_ =	strace s18  }
0x93: {  	s3 =	sld [smem:$0x3FFC];
	_ =	sdelay $0x3  }
0x94: {  	_ =	strace s3  }
0x95: {  	s3 =	sld [smem:$0x3FFD];
	_ =	sdelay $0x3  }
0x96: {  	_ =	strace s3  }
0x97: {  	_ =	strace $0x8FFFFFFF  }
0x98: {  	s19 =	sld [smem:$0x3FDB];
	_ =	sdelay $0x1  }
0x99: {  	s4 =	simm.s32 $_scs_section_size  }
0x9a: {  	s5 =	simm.s32 $_size__tile_overlayer_lowered;
	s6 =	simm.s32 $_tile_overlayer_lowered  }
0x9b: {  	s22 =	simm.s32 $0x1BFF;
	s21 =	sshll.u32 s6, $0x1;
	s3 =	sadd.s32 s4, s19  }
0x9c: {  	s7 =	simm.s32 $0x0;
	s20 =	sshll.u32 s5, $0x1;
	s5 =	sadd.s32 s21, s3  }
0x9d: {  	[timem:s7], [sflag:s22] =	dma.local [hbm:s5], s20  }
0x9e: {  	_ =	swait.ge [sflag:s22], s20  }
0x9f: {  	s4 =	ssub.s32 $0x0, s20;
	[sflag:s22] =	ssyncset.done $0x0  }
0xa0: {  	[sflag:s22] =	ssyncadd.s32 s4;
	_ =	sdelay $0x1  }
0xa1: {  	s23 =	simm.s32 $0x1B8B  }
0xa2: {  	_ =	swait.ge [sflag:s23], $0x1  }
0xa3: {  	[sflag:s23] =	ssyncset.done $0x0  }
0xa4: {  	s25 =	simm.s32 $0x1B8E;
	s24 =	sld [smem:$0x3FFE];
	[sflag:s23] =	ssyncadd.s32 $0xFFFFFFFF  }
0xa5: {  	s26 =	simm.s32 $execute0_lowered;
	[smem:$0x3FD2] =	sst s25  }
0xa6: {  	s5 =	sshll.u32 s26, $0x1;
	_ =	strace $0x80000046;
	[dreg:$0x1] =	wrdreg $0xFFFFFFFF  }
0xa7: {  	s28 =	simm.s32 $_size_execute0_lowered;
	s3 =	sadd.s32 s3, s5;
	[dreg:$0x0] =	wrdreg $0x0  }
0xa8: {  	s5 =	sshll.u32 s28, $0x1;
	[dreg:$0x2] =	wrdreg s3  }
0xa9: {  	[dreg:$0x3] =	wrdreg s5  }
0xaa: {  	[dreg:$0x4] =	wrdreg $0xC0  }
0xab: {  	_ =	task [dreg:s7], $0x5FFFF  }
0xac: {  	[dreg:$0x1] =	wrdreg $0xFFFFFFFF  }
0xad: {  	[dreg:$0x0] =	wrdreg $0x60  }
0xae: {  	[dreg:$0x2] =	wrdreg s24  }
0xaf: {  	[dreg:$0x3] =	wrdreg s2  }
0xb0: {  	[dreg:$0x4] =	wrdreg $0x36000  }
0xb1: {  	[dreg:$0x5] =	wrdreg $0x9  }
0xb2: {  	_ =	task.clear_ibuf [dreg:s7], $0x6FFFF;
	_ =	strace $0x90000046  }
0xb3: {  	s29 =	simm.s32 $0x9;
	_ =	strace $0x80000048  }
0xb4: {  	_ =	swait.ge [sflag:s29], $0x1  }
0xb5: {  	[sflag:s29] =	ssyncadd.s32 $0xFFFFFFFF  }
0xb6: {  	_ =	strace $0x90000048  }
0xb7: {  	_ =	sfence  }
0xb8: {  	s30 =	sld [smem:$0x0];
	_ =	sdelay $0x2  }
0xb9: {  	s31 =	sshll.u32 s1, $0xD;
	s1 =	sshrl.u32 s1, $0x2  }
0xba: {  	s3 =	sand.u32 $0x4000, s31;
	s1 =	sadd.s32 s1, s30  }
0xbb: {  	s0 =	sor.u32 s3, s0;
	s1 =	sshll.u32 s1, $0x11  }
0xbc: {  	s0 =	sor.u32 s1, s0  }
0xbd: {  	s0 =	sadd.s32 $0x8F2B, s0  }
0xbe: {  	[sflag:s0] =	ssyncadd.remote.s32 $0x1  }
0xbf: {  	_ =	sfence.sel $0xFFFF  }
0xc0: {  	[dreg:$0x0] =	wrdreg $0xFFFFFFFF;
	(pc) =	sbr.abs _section_cstart, $3  }
0xc1: {  	[dreg:$0x1] =	wrdreg $0xFFFFFFFF  }
0xc2: {  	_ =	task.clear_ibuf [dreg:s7], $0x2FFFF;
	_ =	strace $0x9FFFFFFF  }
0xc3: {  	(tm) =	ssettm $0x7FFFFFFF  }
tec
execute0_lowered:
.L_overlay_start_1:
0x0: {  	(tag) =	ssettag $0x1  }
0x1: {  	s0 =	rddreg [dreg:$0x0]  }
0x2: {  	s1 =	rddreg [dreg:$0x1];
	s3 =	srdreg.scid  }
0x3: {  	s2 =	rddreg [dreg:$0x2];
	s15 =	stileid.u32;
	s16 =	simm.s32 $0x4  }
0x4: {  	s17 =	simm.s32 $0x2;
	s19 =	simm.s32 $0x300;
	s28 =	simm.s32 $0x0  }
0x5: {  	s10 =	sand.u32 $0x1, s3;
	s3 =	simm.s32 $0x0;
	s5 =	smul.u32 $0xC4E0, s15  }
0x6: {  	s22 =	sshll.u32 s15, $0x6;
	s26 =	smul.u32 $0xAF80, s15;
	s4 =	sshll.u32 s10, $0x4  }
0x7: {  	[smem:$0x7FF] =	sst s3;
	s9 =	ssub.s32 $0x2, s10;
	s13 =	smul.u32 $0xAF800, s10  }
0x8: {  	s23 =	sor.u32 $0x1C04, s22;
	s30 =	smul.u32 $0x15F000, s10;
	s22 =	simm.s32 $0x1E00  }
0x9: {  	s7 =	sor.u32 s15, s4;
	_ =	strace $0x80000047;
	s15 =	smul.u32 $0x15F00, s15  }
0xa: {  	s20 =	sshrl.u32 s5, $0x3;
	s21 =	sshrl.u32 s9, $0x1;
	s8 =	smul.u32 $0xAF80, s7  }
0xb: {  	s14 =	sadd.s32 s5, s2;
	[dreg:$0x5] =	wrdreg s23;
	s11 =	smul.u32 $0xAF800, s7  }
0xc: {  	s4 =	sadd.s32 s20, s0;
	s9 =	ssub.s32 s9, s21;
	s25 =	smul.u32 $0x15F00, s7  }
0xd: {  	s31 =	sadd.s32 s30, s1;
	s20 =	simm.s32 $0x180;
	s4 =	sadd.s32 $0x2C800, s4  }
0xe: {  	s21 =	simm.s32 $0x600;
	s6 =	sshrl.u32 s8, $0x3;
	[dreg:$0x4] =	wrdreg s4  }
0xf: {  	s24 =	sshrl.u32 s11, $0x3;
	s12 =	sshll.u32 s8, $0x1;
	s8 =	smax.u32 s9, $0x1  }
0x10: {  	s9 =	sadd.s32 s1, s25;
	s25 =	simm.s32 $0x1;
	s0 =	sadd.s32 s6, s0  }
0x11: {  	s29 =	sadd.s32 s1, s12;
	s6 =	sadd.s32 $0xA00, s0;
	s0 =	sadd.s32 s1, s24  }
0x12: {  	s11 =	sadd.s32 $0x15600, s9;
	s12 =	sadd.s32 $0x15900, s9;
	s0 =	sadd.s32 $0x15C00, s0  }
0x13: {  	s10 =	sadd.s32 $0x300, s29;
	[dreg:$0x6] =	wrdreg s0;
	s0 =	sadd.s32 s26, s13  }
0x14: {  	s24 =	simm.s32 $0x3;
	s18 =	sadd.s32 $0x60, s6;
	s0 =	sshll.u32 s0, $0x1  }
0x15: {  	s23 =	sadd.s32 $0xC0, s6;
	s13 =	sadd.s32 s15, s31;
	s0 =	sadd.s32 s1, s0  }
0x16: {  	s15 =	sshrl.u32 s14, $0x3;
	s13 =	sadd.s32 $0x600, s13;
	s0 =	sadd.s32 $0x900, s0  }
.LBB2_1:
0x17: {  	s1 =	rddreg [dreg:$0x4]  }
0x18: {  	s4 =	rddreg [dreg:$0x5]  }
0x19: {  	[spmem:s15], [sflag:s4] =	dma.local [hbm:s1], $0x189C  }
0x1a: {  	_ =	swait.ge [sflag:s16], $0x189C  }
0x1b: {  	[sflag:s16] =	ssyncset.done $0x0  }
0x1c: {  	[sflag:s16] =	ssyncadd.s32 $0xFFFFE764  }
0x1d: {  	[tilespmem:s3], [sflag:$0x2] =	stream.linear.gather [hbm4b:s6+s3], $0x300, $0x38;
	[tilespmem:$0xFAE0] =	vst v63  }
0x1e: {  	[bflag:$0x0] =	sbarrier.arrive $0xFFFF  }
0x1f: {  	_ =	swait.ge [sflag:s17], $0x300  }
0x20: {  	[sflag:s17] =	ssyncset.done $0x0  }
0x21: {  	[sflag:s17] =	ssyncadd.s32 $0xFFFFFD00  }
0x22: {  	[tilespmem:s19], [sflag:$0x2] =	stream.linear.gather [hbm4b:s18+s3], $0x300, $0x38;
	[tilespmem:$0xFAE0] =	vst v63  }
0x23: {  	_ = 	snop  }
0x24: {  	[tilespmem:s21], [sflag:$0x1] =	stream.indirect.gather [spmem:s2], $0x10, s3, s20, $0xb8;
	[tilespmem:$0xFAE0] =	vst v63  }
0x25: {  	_ = 	snop  }
0x26: {  	[tilespmem:s22], [sflag:$0x1] =	stream.indirect.gather [spmem:s2], $0x10, s20, s20, $0xb8;
	[tilespmem:$0xFAE0] =	vst v63  }
0x27: {  	_ =	swait.ge [sflag:s25], $0x1800  }
0x28: {  	[sflag:s25] =	ssyncset.done $0x0  }
0x29: {  	[sflag:s25] =	ssyncadd.s32 $0xFFFFE800  }
0x2a: {  	[hbm4b:s9+s3] =	stream.linear.scatter [tilespmem:s21], [sflag:$0x3], $0x1800, $0x38;
	[tilespmem:$0xFAE0] =	vst v63  }
0x2b: {  	_ =	swait.ge [sflag:s25], $0x1800  }
0x2c: {  	s7 =	sand.u32 $0x1, s25;
	[sflag:s25] =	ssyncset.done $0x0  }
0x2d: {  	s14 =	sxor.u32 $0x1, s7;
	[sflag:s25] =	ssyncadd.s32 $0xFFFFE800  }
0x2e: {  	[hbm4b:s10+s3] =	stream.linear.scatter [tilespmem:s22], [sflag:$0x3], $0x1800, $0x38;
	[tilespmem:$0xFAE0] =	vst v63  }
0x2f: {  	s14 =	smul.u32 $0xC00, s14;
	_ =	swait.ge [sflag:s17], $0x300  }
0x30: {  	[sflag:s17] =	ssyncset.done $0x0  }
0x31: {  	s14 =	sshrl.u32 s14, $0x2;
	[sflag:s17] =	ssyncadd.s32 $0xFFFFFD00  }
0x32: {  	[tilespmem:s14], [sflag:$0x2] =	stream.linear.gather [hbm4b:s23+s3], $0x300, $0x38;
	[tilespmem:$0xFAE0] =	vst v63  }
0x33: {  	_ =	swait.ge [sflag:s24], $0x1800  }
0x34: {  	[sflag:s24] =	ssyncset.done $0x0  }
0x35: {  	[sflag:s24] =	ssyncadd.s32 $0xFFFFE800  }
0x36: {  	s1 =	smul.u32 $0xC00, s7;
	_ =	swait.ge [sflag:s24], $0x1800  }
0x37: {  	[sflag:s24] =	ssyncset.done $0x0  }
0x38: {  	s1 =	sshrl.u32 s1, $0x2;
	[sflag:s24] =	ssyncadd.s32 $0xFFFFE800  }
0x39: {  	[tilespmem:s21], [sflag:$0x1] =	stream.indirect.gather [spmem:s2], $0x10, s1, s20, $0xb8;
	[tilespmem:$0xFAE0] =	vst v63  }
0x3a: {  	s1 =	sadd.s32 $0x180, s1  }
0x3b: {  	[tilespmem:s22], [sflag:$0x1] =	stream.indirect.gather [spmem:s2], $0x10, s1, s20, $0xb8;
	[tilespmem:$0xFAE0] =	vst v63  }
0x3c: {  	s26 =	simm.s32 $0x3;
	_ =	swait.ge [sflag:s25], $0x1800  }
0x3d: {  	s29 =	sadd.s32 $0x600, s0;
	s31 =	sadd.s32 $0x60, s23;
	[sflag:s25] =	ssyncset.done $0x0  }
0x3e: {  	s30 =	sadd.s32 $0x600, s13;
	s14 =	simm.s32 $0x2;
	[sflag:s25] =	ssyncadd.s32 $0xFFFFE800  }
0x3f: {  	[hbm4b:s13+s3] =	stream.linear.scatter [tilespmem:s21], [sflag:$0x3], $0x1800, $0x38;
	[tilespmem:$0xFAE0] =	vst v63  }
0x40: {  	s1 =	sand.u32 $0x1, s14;
	s14 =	smov.u32 s0;
	_ =	swait.ge [sflag:s25], $0x1800  }
.LBB2_2:
0x41: {  	s4 =	sxor.u32 $0x1, s1  }
0x42: {  	[sflag:s25] =	ssyncset.done $0x0;
	s5 =	smov.u32 s26;
	s7 =	sadd.s32 $0x1, s26  }
0x43: {  	p0 =	sne.s32 s26, $0x38;
	s4 =	smul.u32 $0xC00, s4;
	[sflag:s25] =	ssyncadd.s32 $0xFFFFE800  }
0x44: {  	[hbm4b:s14+s3] =	stream.linear.scatter [tilespmem:s22], [sflag:$0x3], $0x1800, $0x38;
	[tilespmem:$0xFAE0] =	vst v63  }
0x45: {  	s14 =	smov.u32 s29;
	_ =	swait.ge [sflag:s17], $0x300;
	s4 =	sshrl.u32 s4, $0x2  }
0x46: {  	[sflag:s17] =	ssyncset.done $0x0  }
0x47: {  	[sflag:s17] =	ssyncadd.s32 $0xFFFFFD00  }
0x48: {  	[tilespmem:s4], [sflag:$0x2] =	stream.linear.gather [hbm4b:s31+s3], $0x300, $0x38;
	[tilespmem:$0xFAE0] =	vst v63  }
0x49: {  	_ =	swait.ge [sflag:s24], $0x1800  }
0x4a: {  	[sflag:s24] =	ssyncset.done $0x0  }
0x4b: {  	[sflag:s24] =	ssyncadd.s32 $0xFFFFE800  }
0x4c: {  	s1 =	smul.u32 $0xC00, s1;
	_ =	swait.ge [sflag:s24], $0x1800  }
0x4d: {  	[sflag:s24] =	ssyncset.done $0x0  }
0x4e: {  	s1 =	sshrl.u32 s1, $0x2;
	[sflag:s24] =	ssyncadd.s32 $0xFFFFE800  }
0x4f: {  	[tilespmem:s21], [sflag:$0x1] =	stream.indirect.gather [spmem:s2], $0x10, s1, s20, $0xb8;
	[tilespmem:$0xFAE0] =	vst v63  }
0x50: {  	s1 =	sadd.s32 $0x180, s1  }
0x51: {  	[tilespmem:s22], [sflag:$0x1] =	stream.indirect.gather [spmem:s2], $0x10, s1, s20, $0xb8;
	[tilespmem:$0xFAE0] =	vst v63  }
.Ltmp0:
0x52: {  	_ =	swait.ge [sflag:s25], $0x1800;
	(pc) =	sbr.rel @p0 .LBB2_2-.Ltmp0, $4  }
0x53: {  	s26 =	smov.u32 s7;
	[sflag:s25] =	ssyncset.done $0x0  }
0x54: {  	s29 =	sadd.s32 $0x600, s29;
	s31 =	sadd.s32 $0x60, s31;
	[sflag:s25] =	ssyncadd.s32 $0xFFFFE800  }
0x55: {  	[hbm4b:s30+s3] =	stream.linear.scatter [tilespmem:s21], [sflag:$0x3], $0x1800, $0x38;
	[tilespmem:$0xFAE0] =	vst v63  }
0x56: {  	s1 =	sand.u32 $0x1, s5;
	s30 =	sadd.s32 $0x600, s30;
	_ =	swait.ge [sflag:s25], $0x1800  }
0x57: {  	[sflag:s25] =	ssyncset.done $0x0  }
0x58: {  	s4 =	sxor.u32 $0x1, s1;
	[sflag:s25] =	ssyncadd.s32 $0xFFFFE800  }
0x59: {  	[hbm4b:s14+s3] =	stream.linear.scatter [tilespmem:s22], [sflag:$0x3], $0x1800, $0x38;
	[tilespmem:$0xFAE0] =	vst v63  }
0x5a: {  	s4 =	smul.u32 $0xC00, s4;
	_ =	swait.ge [sflag:s17], $0x300  }
0x5b: {  	[sflag:s17] =	ssyncset.done $0x0  }
0x5c: {  	s4 =	sshrl.u32 s4, $0x2;
	[sflag:s17] =	ssyncadd.s32 $0xFFFFFD00  }
0x5d: {  	[tilespmem:s4], [sflag:$0x2] =	stream.linear.gather [hbm4b:s31+s3], $0x300, $0x38;
	[tilespmem:$0xFAE0] =	vst v63  }
0x5e: {  	_ =	swait.ge [sflag:s24], $0x1800  }
0x5f: {  	[sflag:s24] =	ssyncset.done $0x0  }
0x60: {  	[sflag:s24] =	ssyncadd.s32 $0xFFFFE800  }
0x61: {  	s26 =	smul.u32 $0xC00, s1;
	_ =	swait.ge [sflag:s24], $0x1800  }
0x62: {  	[sflag:s24] =	ssyncset.done $0x0  }
0x63: {  	s1 =	sshrl.u32 s26, $0x2;
	[sflag:s24] =	ssyncadd.s32 $0xFFFFE800  }
0x64: {  	[tilespmem:s21], [sflag:$0x1] =	stream.indirect.gather [spmem:s2], $0x10, s1, s20, $0xb8;
	[tilespmem:$0xFAE0] =	vst v63  }
0x65: {  	s1 =	sadd.s32 $0x180, s1  }
0x66: {  	[tilespmem:s22], [sflag:$0x1] =	stream.indirect.gather [spmem:s2], $0x10, s1, s20, $0xb8;
	[tilespmem:$0xFAE0] =	vst v63  }
0x67: {  	_ =	swait.ge [sflag:s25], $0x1800  }
0x68: {  	[sflag:s25] =	ssyncset.done $0x0  }
0x69: {  	[sflag:s25] =	ssyncadd.s32 $0xFFFFE800  }
0x6a: {  	[hbm4b:s30+s3] =	stream.linear.scatter [tilespmem:s21], [sflag:$0x3], $0x1800, $0x38;
	[tilespmem:$0xFAE0] =	vst v63  }
0x6b: {  	_ =	swait.ge [sflag:s25], $0x1800  }
0x6c: {  	[sflag:s25] =	ssyncset.done $0x0  }
0x6d: {  	[sflag:s25] =	ssyncadd.s32 $0xFFFFE800  }
0x6e: {  	[hbm4b:s29+s3] =	stream.linear.scatter [tilespmem:s22], [sflag:$0x3], $0x1800, $0x38;
	[tilespmem:$0xFAE0] =	vst v63  }
0x6f: {  	_ =	swait.ge [sflag:s17], $0x300  }
0x70: {  	[sflag:s17] =	ssyncset.done $0x0  }
0x71: {  	[sflag:s17] =	ssyncadd.s32 $0xFFFFFD00  }
0x72: {  	_ =	swait.ge [sflag:s24], $0x1800  }
0x73: {  	[sflag:s24] =	ssyncset.done $0x0  }
0x74: {  	[sflag:s24] =	ssyncadd.s32 $0xFFFFE800  }
0x75: {  	_ =	swait.ge [sflag:s24], $0x1800  }
0x76: {  	[sflag:s24] =	ssyncset.done $0x0  }
0x77: {  	[sflag:s24] =	ssyncadd.s32 $0xFFFFE800  }
0x78: {  	[tilespmem:s21], [sflag:$0x1] =	stream.indirect.gather [spmem:s2], $0x10, s19, s20, $0xb8;
	[tilespmem:$0xFAE0] =	vst v63  }
0x79: {  	s29 =	simm.s32 $0x480  }
0x7a: {  	[tilespmem:s22], [sflag:$0x1] =	stream.indirect.gather [spmem:s2], $0x10, s29, s20, $0xb8;
	[tilespmem:$0xFAE0] =	vst v63  }
0x7b: {  	_ =	swait.ge [sflag:s25], $0x1800  }
0x7c: {  	[sflag:s25] =	ssyncset.done $0x0  }
0x7d: {  	[sflag:s25] =	ssyncadd.s32 $0xFFFFE800  }
0x7e: {  	[hbm4b:s11+s3] =	stream.linear.scatter [tilespmem:s21], [sflag:$0x3], $0x1800, $0x38;
	[tilespmem:$0xFAE0] =	vst v63  }
0x7f: {  	_ =	swait.ge [sflag:s25], $0x1800  }
0x80: {  	[sflag:s25] =	ssyncset.done $0x0  }
0x81: {  	[sflag:s25] =	ssyncadd.s32 $0xFFFFE800  }
0x82: {  	[hbm4b:s12+s3] =	stream.linear.scatter [tilespmem:s22], [sflag:$0x3], $0x1800, $0x38;
	[tilespmem:$0xFAE0] =	vst v63  }
0x83: {  	_ =	swait.ge [sflag:s24], $0x1800  }
0x84: {  	[sflag:s24] =	ssyncset.done $0x0  }
0x85: {  	[sflag:s24] =	ssyncadd.s32 $0xFFFFE800  }
0x86: {  	_ =	swait.ge [sflag:s24], $0x1800  }
0x87: {  	[sflag:s24] =	ssyncset.done $0x0  }
0x88: {  	s30 =	sadd.s32 $0x15C0, s6;
	[sflag:s24] =	ssyncadd.s32 $0xFFFFE800  }
0x89: {  	[tilespmem:s3], [sflag:$0x4] =	stream.linear.gather [hbm4b:s30+s3], $0x180, $0x38;
	[tilespmem:$0xFAE0] =	vst v63  }
0x8a: {  	_ =	swait.ge [sflag:s16], $0x180  }
0x8b: {  	[sflag:s16] =	ssyncset.done $0x0  }
0x8c: {  	[sflag:s16] =	ssyncadd.s32 $0xFFFFFE80  }
0x8d: {  	[tilespmem:s21], [sflag:$0x1] =	stream.indirect.gather [spmem:s2], $0x10, s3, s20, $0xb8;
	[tilespmem:$0xFAE0] =	vst v63  }
0x8e: {  	s28 =	sadd.s32 $0x1, s28;
	_ =	swait.ge [sflag:s25], $0x1800  }
0x8f: {  	p0 =	sne.s32 s28, s8;
	[sflag:s25] =	ssyncset.done $0x0  }
.Ltmp1:
0x90: {  	s31 =	rddreg [dreg:$0x6];
	[sflag:s25] =	ssyncadd.s32 $0xFFFFE800;
	(pc) =	sbr.rel @p0 .LBB2_1-.Ltmp1, $4  }
0x91: {  	[hbm4b:s31+s3] =	stream.linear.scatter [tilespmem:s21], [sflag:$0x4], $0x1800, $0x38;
	[tilespmem:$0xFAE0] =	vst v63  }
0x92: {  	_ =	swait.ge [sflag:s16], $0x1800  }
0x93: {  	[sflag:s16] =	ssyncset.done $0x0  }
0x94: {  	[sflag:s16] =	ssyncadd.s32 $0xFFFFE800  }
0x95: {  	_ =	sfence.sel $0x180000  }
0x96: {  	[bflag:$0x0] =	sbarrier.arrive $0xFFFF  }
0x97: {  	_ =	strace $0x90000047  }
0x98: {  	s0 =	stileid.u32;
	[bflag:$0x2] =	sbarrier.arrive $0xFFFF  }
0x99: {  	p0 =	sne.s32 s0, $0x0;
	s0 =	rddreg [dreg:$0x3]  }
0x9a: {  	s0 =	sadd.s32 @!p0 $0x100000, s0  }
0x9b: {  	[sflag:s0] =	ssyncadd.tile.s32 @!p0 $0x1;
	_ =	shalt  }
.Lfunc_end2:
_tile_overlayer_lowered:
.L_overlay_start_2:
0x9c: {  	(tag) =	ssettag $0x2  }
0x9d: {  	s0 =	rddreg [dreg:$0x0];
	s2 =	stileid.u32  }
0x9e: {  	s1 =	rddreg [dreg:$0x1];
	p0 =	sne.s32 s2, $0x0  }
0x9f: {  	s3 =	rddreg [dreg:$0x2];
	[bflag:$0x3] =	sbarrier.arrive $0xFFFF;
	s2 =	simm.s32 @!p0 $0x1C04  }
0xa0: {  	[timem:s3], [sflag:s2] =	dma.local @!p0 [hbm:s0], s1  }
0xa1: {  	s0 =	simm.s32 @!p0 $0x4  }
0xa2: {  	_ =	swait.ge @!p0 [sflag:s0], s1  }
0xa3: {  	s1 =	ssub.s32 @!p0 $0x0, s1;
	[sflag:s0] =	ssyncset.done @!p0 $0x0  }
0xa4: {  	[sflag:s0] =	ssyncadd.s32 @!p0 s1  }
0xa5: {  	[bflag:$0x3] =	sbarrier.arrive $0xFFFF  }
0xa6: {  	_ =	shalt  }

// kernel: sparse-core-data-format-call.cloned.1.call-start
scs
called_computation_lowered:
.L_overlay_start_0:
0x0: {  	s2 =	sld [smem:$0x3FD9]  }
0x1: {  	s3 =	sld [smem:$0x3FFE];
	_ =	sdelay $0x1  }
0x2: {  	s1 =	srdreg.scid  }
0x3: {  	s0 =	sand.u32 $0x1, s1  }
0x4: {  	s18 =	sshll.u32 s0, $0xA;
	s2 =	sadd.s32 s3, s2  }
0x5: {  	s2 =	sadd.s32 s2, s18  }
0x6: {  	[smem:$0x3FC6] =	sst s2  }
0x7: {  	_ = 	snop  }
0x8: {  	s2 =	sld [smem:$0x3FD0];
	(tm) =	ssettm $0x1  }
0x9: {  	s19 =	sld [smem:$0x3FFB];
	_ =	sdelay $0x3  }
0xa: {  	_ =	strace s19  }
0xb: {  	s3 =	sld [smem:$0x3FFC];
	_ =	sdelay $0x3  }
0xc: {  	_ =	strace s3  }
0xd: {  	s3 =	sld [smem:$0x3FFD];
	_ =	sdelay $0x3  }
0xe: {  	_ =	strace s3  }
0xf: {  	_ =	strace $0x8FFFFFFF  }
0x10: {  	s20 =	sld [smem:$0x3FDB];
	_ =	sdelay $0x1  }
0x11: {  	s4 =	simm.s32 $_scs_section_size  }
0x12: {  	s5 =	simm.s32 $_size__tile_overlayer_lowered;
	s6 =	simm.s32 $_tile_overlayer_lowered  }
0x13: {  	s23 =	simm.s32 $0x1BFF;
	s22 =	sshll.u32 s6, $0x1;
	s3 =	sadd.s32 s4, s20  }
0x14: {  	s7 =	simm.s32 $0x0;
	s21 =	sshll.u32 s5, $0x1;
	s5 =	sadd.s32 s22, s3  }
0x15: {  	[timem:s7], [sflag:s23] =	dma.local [hbm:s5], s21  }
0x16: {  	_ =	swait.ge [sflag:s23], s21  }
0x17: {  	s4 =	ssub.s32 $0x0, s21;
	[sflag:s23] =	ssyncset.done $0x0  }
0x18: {  	[sflag:s23] =	ssyncadd.s32 s4;
	_ =	sdelay $0x1  }
0x19: {  	s24 =	simm.s32 $0x1B8B  }
0x1a: {  	_ =	swait.ge [sflag:s24], $0x1  }
0x1b: {  	[sflag:s24] =	ssyncset.done $0x0  }
0x1c: {  	s26 =	simm.s32 $0x1B8E;
	s25 =	sld [smem:$0x3FFE];
	[sflag:s24] =	ssyncadd.s32 $0xFFFFFFFF  }
0x1d: {  	s27 =	simm.s32 $execute0_lowered;
	[smem:$0x3FD2] =	sst s26  }
0x1e: {  	s5 =	sshll.u32 s27, $0x1;
	_ =	strace $0x80000049;
	[dreg:$0x1] =	wrdreg $0xFFFFFFFF  }
0x1f: {  	s28 =	simm.s32 $_size_execute0_lowered;
	s3 =	sadd.s32 s3, s5;
	[dreg:$0x0] =	wrdreg $0x0  }
0x20: {  	s5 =	sshll.u32 s28, $0x1;
	[dreg:$0x2] =	wrdreg s3  }
0x21: {  	[dreg:$0x3] =	wrdreg s5  }
0x22: {  	[dreg:$0x4] =	wrdreg $0xC0  }
0x23: {  	_ =	task [dreg:s7], $0x5FFFF  }
0x24: {  	[dreg:$0x1] =	wrdreg $0xFFFFFFFF  }
0x25: {  	[dreg:$0x0] =	wrdreg $0x60  }
0x26: {  	[dreg:$0x2] =	wrdreg s25  }
0x27: {  	[dreg:$0x3] =	wrdreg s2  }
0x28: {  	[dreg:$0x4] =	wrdreg $0x9  }
0x29: {  	_ =	task.clear_ibuf [dreg:s7], $0x5FFFF;
	_ =	strace $0x90000049  }
0x2a: {  	s29 =	simm.s32 $0x9;
	_ =	strace $0x8000004B  }
0x2b: {  	_ =	swait.ge [sflag:s29], $0x1  }
0x2c: {  	[sflag:s29] =	ssyncadd.s32 $0xFFFFFFFF  }
0x2d: {  	_ =	strace $0x9000004B  }
0x2e: {  	_ =	sfence  }
0x2f: {  	s30 =	sld [smem:$0x0];
	_ =	sdelay $0x2  }
0x30: {  	s31 =	sshll.u32 s1, $0xD;
	s1 =	sshrl.u32 s1, $0x2  }
0x31: {  	s3 =	sand.u32 $0x4000, s31;
	s1 =	sadd.s32 s1, s30  }
0x32: {  	s0 =	sor.u32 s3, s0;
	s1 =	sshll.u32 s1, $0x11  }
0x33: {  	s0 =	sor.u32 s1, s0  }
0x34: {  	s0 =	sadd.s32 $0x8F2B, s0  }
0x35: {  	[sflag:s0] =	ssyncadd.remote.s32 $0x1  }
0x36: {  	_ =	sfence.sel $0xFFFF  }
0x37: {  	[dreg:$0x0] =	wrdreg $0xFFFFFFFF;
	(pc) =	sbr.abs _section_cstart, $3  }
0x38: {  	[dreg:$0x1] =	wrdreg $0xFFFFFFFF  }
0x39: {  	_ =	task.clear_ibuf [dreg:s7], $0x2FFFF;
	_ =	strace $0x9FFFFFFF  }
0x3a: {  	(tm) =	ssettm $0x7FFFFFFF  }
0x3b: {  	_ =	shalt  }
tec
execute0_lowered:
.L_overlay_start_1:
0x0: {  	(tag) =	ssettag $0x1  }
0x1: {  	s0 =	srdreg.scid  }
0x2: {  	s1 =	sshll.u32 s0, $0x4  }
0x3: {  	s4 =	rddreg [dreg:$0x0];
	s0 =	stileid.u32;
	s1 =	sand.u32 $0x10, s1  }
0x4: {  	s2 =	rddreg [dreg:$0x1];
	s7 =	simm.s32 $0x1;
	s1 =	sor.u32 s0, s1  }
0x5: {  	s8 =	simm.s32 $0x2;
	s11 =	simm.s32 $0x0;
	s3 =	sshll.u32 s1, $0x7  }
0x6: {  	s10 =	simm.s32 $0x0;
	s4 =	sadd.s32 $0xA00, s4;
	s6 =	ssub.s32 $0x15F000, s3  }
.Ltmp0:
0x7: {  	s1 =	rddreg [dreg:$0x2];
	s5 =	sand.u32 $0xF80, s6;
	(pc) =	sbr.rel .LBB1_1-.Ltmp0, $4  }
0x8: {  	_ =	strace $0x8000004A;
	s9 =	smov.u32 s3;
	p0 =	sne.s32 s5, $0x0  }
0x9: {  	s6 =	sshrl.u32 s6, $0xC;
	s5 =	simm.s32 $0x1;
	s7 =	simm.s32 @!p0 $0x0  }
0xa: {  	[sflag:s5] =	ssyncpa.u1 $0x0;
	p0 =	por $0x0, $0x0;
	s6 =	sadd.s32 s7, s6  }
0xb: {  	[sflag:s8] =	ssyncpa.u1 $0x0;
	s8 =	simm.s32 $0xAF8000;
	s7 =	sadd.s32 $0x1, s6  }
.LBB1_4:
0xc: {  	s14 =	sshll.u32 s11, $0x3  }
0xd: {  	s15 =	sshrl.u32 s14, $0xC  }
0xe: {  	s15 =	smulhi.u32 $0xBAB657, s15;
	_ =	sdelay $0x1  }
0xf: {  	s28 =	sand.u32 $0x7F, s11;
	s14 =	sand.u32 $0xFFFFFC00, s14;
	s16 =	smul.u32 $0x15F000, s15  }
0x10: {  	[tilespmem:s12+$0xFFFFFFFC ss:$0x81] =	vst.msk $0xffff, v1;
	s11 =	sor.u32 s28, s14;
	s29 =	sand.u32 $0xF, s15  }
0x11: {  	[tilespmem:s12+$0xFFFFFFFD ss:$0x81] =	vst.msk $0xffff, v2;
	s14 =	smul.u32 $0x2BE00, s29;
	s11 =	ssub.s32 s11, s16  }
0x12: {  	[tilespmem:s12+$0xFFFFFFFE ss:$0x81] =	vst.msk $0xffff, v0;
	s30 =	sand.u32 $0x7, s11  }
0x13: {  	[tilespmem:s12+$0xFFFFFFFF ss:$0x81] =	vst.msk $0xffff, v4;
	s11 =	sshrl.u32 s11, $0x3;
	s14 =	sadd.s32 s2, s14;
	s15 =	sshll.u32 s30, $0x12  }
0x14: {  	[tilespmem:s12+$0xFFFFFFF9 ss:$0x81] =	vst.msk $0xffff, v3;
	s11 =	sadd.s32 s11, s14;
	s31 =	sor.u32 $0x400, s15  }
0x15: {  	[hbm4b:s11+s31] =	stream.strided.scatter [tilespmem:s13], [sflag:$0x2], $0x800, s8, s31, $0x20;
	[tilespmem:$0x2020] =	vst v63  }
.LBB1_5:
0x16: {  	s13 =	sadd.s32 $0x1000, s9  }
0x17: {  	p2 =	sgt.s32 s13, $0x15EFFF  }
0x18: {  	s13 =	smov.u32 @p2 s3;
	p2 =	sne.s32 s10, s7  }
.Ltmp1:
0x19: {  	p1 =	slt.u32 s10, $0x2;
	(pc) =	sbr.rel @!p2 .LBB1_6-.Ltmp1, $4  }
0x1a: {  	s12 =	simm.s32 @!p1 $0x2  }
0x1b: {  	s14 =	sadd.s32 $0x1, s10;
	_ =	swait.ge @!p1 [sflag:s12], $0x800  }
0x1c: {  	s11 =	smov.u32 s9;
	p0 =	por !p0, !p0;
	[sflag:s12] =	ssyncset.done @!p1 $0x0  }
0x1d: {  	s10 =	smov.u32 s14;
	s9 =	smov.u32 s13;
	[sflag:s12] =	ssyncadd.s32 @!p1 $0xFFFFF800  }
.LBB1_1:
0x1e: {  	p1 =	sge.u32 s10, s6  }
0x1f: {  	s12 =	sand.u32 @!p1 $0x1FFFFFF, s9  }
0x20: {  	s13 =	smulhi.u32 @!p1 $0x2EAD959, s12;
	_ =	sdelay $0x1  }
0x21: {  	s13 =	sshrl.u32 @!p1 s13, $0xE  }
0x22: {  	s13 =	smul.u32 @!p1 $0x15F000, s13;
	_ =	sdelay $0x1  }
0x23: {  	s31 =	sadd.s32 $0xFFFFFFFF, s10;
	s14 =	sxor.u32 @!p1 $0xFFFFFFFF, s10;
	s12 =	ssub.s32 @!p1 s12, s13  }
0x24: {  	s15 =	simm.s32 @!p1 $0x80;
	s14 =	sshll.u32 @!p1 s14, $0xB;
	s12 =	sshll.u32 @!p1 s12, $0x4  }
0x25: {  	s13 =	sand.u32 @!p1 $0x800, s14;
	s14 =	simm.s32 @!p1 $0x10;
	s12 =	sadd.s32 @!p1 s4, s12  }
0x26: {  	[tilespmem:s13], [sflag:$0x1] =	stream.strided.gather @!p1 [hbm4b:s12+s14], $0x800, s15, s14, $0x38;
	[tilespmem:$0x2020] =	vst v63  }
0x27: {  	p1 =	sge.u32 s31, s6  }
.Ltmp2:
0x28: {  	_ = 	snop;
	(pc) =	sbr.rel @p1 .LBB1_5-.Ltmp2, $1  }
0x29: {  	_ =	sdelay $0x3  }
0x2a: {  	s12 =	simm.s32 $0x1  }
0x2b: {  	_ =	swait.ge [sflag:s5], $0x800;
	s12 =	simm.s32 @!p0 $0x0  }
0x2c: {  	[sflag:s5] =	ssyncset.done $0x0;
	s13 =	sshll.u32 s12, $0xB  }
0x2d: {  	[sflag:s5] =	ssyncadd.s32 $0xFFFFF800;
	s15 =	sor.u32 $0x40, s13  }
0x2e: {  	v3 =	vld [tilespmem:s15+$0x30]  }
0x2f: {  	s12 =	smul.u32 $0x2040, s12;
	v4 =	vld [tilespmem:s15+$0xFFFFFFD0]  }
0x30: {  	v5 =	vld [tilespmem:s15+$0xFFFFFFE0]  }
0x31: {  	s31 =	sand.u32 $0x1, s10;
	s12 =	sshrl.u32 s12, $0x2;
	v1 =	vld [tilespmem:s15+$0xFFFFFFF0]  }
0x32: {  	s13 =	smul.u32 $0x2040, s31;
	v2 =	vld [tilespmem:s15+$0x0];
	s12 =	sor.u32 $0x1007, s12  }
0x33: {  	v0 =	vld [tilespmem:s15+$0x10];
	[tilespmem:s12+$0x0 ss:$0x81] =	vst.msk $0xffff, v3  }
0x34: {  	s13 =	sshrl.u32 s13, $0x2;
	[tilespmem:s12+$0xFFFFFFFA ss:$0x81] =	vst.msk $0xffff, v4;
	v4 =	vld [tilespmem:s15+$0x20]  }
0x35: {  	s14 =	simm.s32 $0x0;
	s13 =	sor.u32 $0x1000, s13;
	v3 =	vld [tilespmem:s15+$0xFFFFFFC0];
	[tilespmem:s12+$0xFFFFFFFB ss:$0x81] =	vst.msk $0xffff, v5;
	s15 =	sadd.s32 $0x80, s15  }
.LBB1_3:
0x36: {  	v5 =	vld [tilespmem:s15+$0x30];
	s14 =	sadd.s32 $0x8, s14;
	[tilespmem:s12+$0xFFFFFFFC ss:$0x81] =	vst.msk $0xffff, v1  }
0x37: {  	v6 =	vld [tilespmem:s15+$0xFFFFFFD0];
	p1 =	slt.u32 s14, $0x78;
	[tilespmem:s12+$0xFFFFFFFD ss:$0x81] =	vst.msk $0xffff, v2  }
0x38: {  	v7 =	vld [tilespmem:s15+$0xFFFFFFE0];
	[tilespmem:s12+$0xFFFFFFFE ss:$0x81] =	vst.msk $0xffff, v0  }
.Ltmp3:
0x39: {  	v1 =	vld [tilespmem:s15+$0xFFFFFFF0];
	[tilespmem:s12+$0xFFFFFFFF ss:$0x81] =	vst.msk $0xffff, v4;
	(pc) =	sbr.rel @p1 .LBB1_3-.Ltmp3, $4  }
0x3a: {  	v2 =	vld [tilespmem:s15+$0x0];
	[tilespmem:s12+$0xFFFFFFF9 ss:$0x81] =	vst.msk $0xffff, v3;
	s12 =	sadd.s32 $0x8, s12  }
0x3b: {  	v0 =	vld [tilespmem:s15+$0x10];
	[tilespmem:s12+$0x0 ss:$0x81] =	vst.msk $0xffff, v5  }
0x3c: {  	[tilespmem:s12+$0xFFFFFFFA ss:$0x81] =	vst.msk $0xffff, v6;
	v4 =	vld [tilespmem:s15+$0x20]  }
0x3d: {  	v3 =	vld [tilespmem:s15+$0xFFFFFFC0];
	[tilespmem:s12+$0xFFFFFFFB ss:$0x81] =	vst.msk $0xffff, v7;
	s15 =	sadd.s32 $0x80, s15  }
.Ltmp4:
0x3e: {  	_ = 	snop;
	(pc) =	sbr.rel .LBB1_4-.Ltmp4, $1  }
0x3f: {  	_ =	sdelay $0x3  }
.LBB1_6:
0x40: {  	_ =	sfence.sel $0x180000  }
0x41: {  	s2 =	simm.s32 $0x1;
	[bflag:$0x0] =	sbarrier.arrive $0xFFFF  }
0x42: {  	s31 =	simm.s32 $0x2;
	[sflag:s2] =	ssyncpa.u1 $0x1  }
0x43: {  	[sflag:s31] =	ssyncpa.u1 $0x1  }
0x44: {  	p0 =	sne.s32 s0, $0x0;
	_ =	strace $0x9000004A  }
0x45: {  	s0 =	sadd.s32 @!p0 $0x100000, s1;
	[bflag:$0x2] =	sbarrier.arrive $0xFFFF  }
0x46: {  	[sflag:s0] =	ssyncadd.tile.s32 @!p0 $0x1;
	_ =	shalt  }
.Lfunc_end1:
_tile_overlayer_lowered:
.L_overlay_start_2:
0x47: {  	(tag) =	ssettag $0x2  }
0x48: {  	s0 =	rddreg [dreg:$0x0];
	s2 =	stileid.u32  }
0x49: {  	s1 =	rddreg [dreg:$0x1];
	p0 =	sne.s32 s2, $0x0  }
0x4a: {  	s3 =	rddreg [dreg:$0x2];
	[bflag:$0x3] =	sbarrier.arrive $0xFFFF;
	s2 =	simm.s32 @!p0 $0x1C01  }
0x4b: {  	[timem:s3], [sflag:s2] =	dma.local @!p0 [hbm:s0], s1  }
0x4c: {  	s0 =	simm.s32 @!p0 $0x1  }
0x4d: {  	_ =	swait.ge @!p0 [sflag:s0], s1  }
0x4e: {  	s1 =	ssub.s32 @!p0 $0x0, s1;
	[sflag:s0] =	ssyncset.done @!p0 $0x0  }
0x4f: {  	[sflag:s0] =	ssyncadd.s32 @!p0 s1  }
0x50: {  	[bflag:$0x3] =	sbarrier.arrive $0xFFFF  }
0x51: {  	_ =	shalt  }

</sc_bundles>
